<compile_context>
chip_gen: v7x
topology: tpu7x:2x2x1
jax: 0.10.2.dev20260603
libtpu: 0.0.44.dev20260713+nightly
codegen_flags: <defaults>
</compile_context>

<pallas_src>
import jax
import jax.numpy as jnp
from jax import lax
from jax.experimental import pallas as pl
from jax.experimental.pallas import tpu as pltpu
from jax.experimental.pallas import tpu_sc as plsc

N = 10000
D = 128
E = 320000
NC = 2
NS = 16
NW = NC * NS
E_T = E // NW
K = 125
NCH = E_T // K
ROWS_T = N // NS
LANES = 16
NPAD = 10240
DSL = NPAD // NS

_MESH = plsc.VectorSubcoreMesh(core_axis_name="c", subcore_axis_name="s")


def _make_sc_agg():
    scratch = [
        pltpu.VMEM((NCH, K), jnp.int32),
        pltpu.VMEM((NCH, K), jnp.int32),
        pltpu.VMEM((K, D), jnp.float32),
        pltpu.VMEM_SHARED((N, D), jnp.float32),
        pltpu.SemaphoreType.DMA,
    ]

    def body(h_hbm, src_hbm, dst_hbm, agg_out,
             src_v, dst_v, buf0, acc_sh, sem0):
        c = lax.axis_index("c")
        s = lax.axis_index("s")
        wid = s * NC + c

        pltpu.sync_copy(src_hbm.at[wid], src_v)
        pltpu.sync_copy(dst_hbm.at[wid], dst_v)

        zero16 = jnp.zeros((LANES,), jnp.float32)

        def zrow(r, carry):
            for cc in range(D // LANES):
                buf0[r, pl.ds(cc * LANES, LANES)] = zero16
            return carry

        lax.fori_loop(0, K, zrow, 0)
        base = s * ROWS_T
        for i in range(ROWS_T // K):
            pltpu.sync_copy(buf0, acc_sh.at[pl.ds(base + i * K, K)])
        plsc.subcore_barrier()

        def step(j, carry):
            pltpu.async_copy(h_hbm.at[src_v.at[j]], buf0, sem0).wait()
            pltpu.sync_copy(buf0, acc_sh.at[dst_v.at[j]], add=True)
            return carry

        lax.fori_loop(0, NCH, step, 0)
        plsc.subcore_barrier()

        pltpu.sync_copy(acc_sh.at[pl.ds(base, ROWS_T)], agg_out.at[c, s])

    return pl.kernel(
        body,
        out_type=jax.ShapeDtypeStruct((NC, NS, ROWS_T, D), jnp.float32),
        mesh=_MESH, scratch_types=scratch)


def _make_sc_deg():
    scratch = [
        pltpu.VMEM((E_T,), jnp.int32),
        pltpu.VMEM((NPAD,), jnp.float32),
        pltpu.VMEM((NS, DSL), jnp.float32),
        pltpu.VMEM((DSL,), jnp.float32),
        pltpu.VMEM_SHARED((NS, NPAD), jnp.float32),
    ]

    def body(dst_hbm, deg_out, dst_v, cnt_v, red_v, row_v, stage_sh):
        c = lax.axis_index("c")
        s = lax.axis_index("s")
        wid = s * NC + c

        pltpu.sync_copy(dst_hbm.at[wid], dst_v)
        zero16 = jnp.zeros((LANES,), jnp.float32)

        def zstep(i, carry):
            cnt_v[pl.ds(i * LANES, LANES)] = zero16
            return carry

        lax.fori_loop(0, NPAD // LANES, zstep, 0)
        one16 = jnp.ones((LANES,), jnp.float32)

        def cstep(i, carry):
            iv = dst_v[pl.ds(i * LANES, LANES)]
            plsc.addupdate_scatter(cnt_v, [iv], one16)
            return carry

        lax.fori_loop(0, E_T // LANES, cstep, 0)
        pltpu.sync_copy(cnt_v, stage_sh.at[s])
        plsc.subcore_barrier()

        pltpu.sync_copy(stage_sh.at[:, pl.ds(DSL * s, DSL)], red_v)

        def rstep(k, carry):
            acc = red_v[0, pl.ds(LANES * k, LANES)]
            for t in range(1, NS):
                acc = acc + red_v[t, pl.ds(LANES * k, LANES)]
            row_v[pl.ds(LANES * k, LANES)] = acc
            return carry

        lax.fori_loop(0, DSL // LANES, rstep, 0)
        pltpu.sync_copy(row_v, deg_out.at[c, s])

    return pl.kernel(
        body,
        out_type=jax.ShapeDtypeStruct((NC, NS, DSL), jnp.float32),
        mesh=_MESH, scratch_types=scratch,
        compiler_params=pltpu.CompilerParams(needs_layout_passes=False))


_sc_agg = _make_sc_agg()
_sc_deg = _make_sc_deg()


_R = 1000


def _tc_self(h_self, W_self, b):

    def body(x_ref, ws_ref, b_ref, o_ref):
        o_ref[...] = jnp.dot(x_ref[...], ws_ref[...],
                             preferred_element_type=jnp.float32) + b_ref[...]

    return pl.pallas_call(
        body,
        grid=(N // _R,),
        in_specs=[
            pl.BlockSpec((_R, D), lambda i: (i, 0)),
            pl.BlockSpec((D, D), lambda i: (0, 0)),
            pl.BlockSpec((1, D), lambda i: (0, 0)),
        ],
        out_specs=pl.BlockSpec((_R, D), lambda i: (i, 0)),
        out_shape=jax.ShapeDtypeStruct((N, D), jnp.float32),
    )(h_self, W_self, b.reshape(1, D))


def _tc_combine(xs, agg_parts, deg_parts, W_neigh, relu):

    def body(xs_ref, agg_ref, deg_ref, wn_ref, o_ref):
        agg = agg_ref[0] + agg_ref[1]
        deg = jnp.maximum(deg_ref[0, :, :1] + deg_ref[1, :, :1], 1.0)
        hn = agg / deg
        out = xs_ref[...] + jnp.dot(hn, wn_ref[...],
                                    preferred_element_type=jnp.float32)
        if relu:
            out = jnp.maximum(out, 0.0)
        o_ref[...] = out

    return pl.pallas_call(
        body,
        grid=(N // _R,),
        in_specs=[
            pl.BlockSpec((_R, D), lambda i: (i, 0)),
            pl.BlockSpec((NC, _R, D), lambda i: (0, i, 0)),
            pl.BlockSpec((NC, _R, 1), lambda i: (0, i, 0)),
            pl.BlockSpec((D, D), lambda i: (0, 0)),
        ],
        out_specs=pl.BlockSpec((_R, D), lambda i: (i, 0)),
        out_shape=jax.ShapeDtypeStruct((N, D), jnp.float32),
    )(xs, agg_parts, deg_parts, W_neigh)


def kernel(inputs, edge_index, W_self1, W_neigh1, b1, W_self2, W_neigh2, b2):
    ei = edge_index.astype(jnp.int32)
    src3 = ei[0].reshape(NW, NCH, K)
    dst3 = ei[1].reshape(NW, NCH, K)
    deg = _sc_deg(ei[1].reshape(NW, E_T)).reshape(NC, NPAD)[:, :N, None]
    xs1 = _tc_self(inputs, W_self1, b1)
    agg1 = _sc_agg(inputs, src3, dst3).reshape(NC, N, D)
    h1 = _tc_combine(xs1, agg1, deg, W_neigh1, relu=True)
    xs2 = _tc_self(h1, W_self2, b2)
    agg2 = _sc_agg(h1, src3, dst3).reshape(NC, N, D)
    h2 = _tc_combine(xs2, agg2, deg, W_neigh2, relu=False)
    return h2

# --- scband reference (transcript-rebuilt; emitter-appended) ---
"""Pipeline reference for scband-graph-sage-8641474199711 (READ-ONLY COPY).

The authoritative reference and input builder live on the scoring server;
editing this copy changes nothing except your own understanding.
"""

import jax, jax.numpy as jnp
import numpy as np

N_NODES = 10000
N_EDGES = 320000
D_IN = 128
D_H = 128


def setup_inputs(seed: int = 0) -> dict:
    key = jax.random.key(seed)
    ks = jax.random.split(key, 8)
    x = jax.random.normal(ks[0], (N_NODES, D_IN), dtype=jnp.float32)
    edge_index = jax.random.randint(ks[1], (2, N_EDGES), 0, N_NODES, dtype=jnp.int64)
    s1 = 1.0 / np.sqrt(D_IN)
    s2 = 1.0 / np.sqrt(D_H)
    W_self1 = jax.random.normal(ks[2], (D_IN, D_H), dtype=jnp.float32) * s1
    W_neigh1 = jax.random.normal(ks[3], (D_IN, D_H), dtype=jnp.float32) * s1
    b1 = jnp.zeros((D_H,), dtype=jnp.float32)
    W_self2 = jax.random.normal(ks[4], (D_H, D_H), dtype=jnp.float32) * s2
    W_neigh2 = jax.random.normal(ks[5], (D_H, D_H), dtype=jnp.float32) * s2
    b2 = jnp.zeros((D_H,), dtype=jnp.float32)
    return {
        "inputs": x,
        "edge_index": edge_index,
        "W_self1": W_self1,
        "W_neigh1": W_neigh1,
        "b1": b1,
        "W_self2": W_self2,
        "W_neigh2": W_neigh2,
        "b2": b2,
    }


def _sage_conv(h, src, dst, num_nodes, W_self, W_neigh, b):
    # DGL SAGEConv with aggregator_type='mean':
    # h_neigh = mean over incoming edges of src features; out = h_self @ W_self + h_neigh @ W_neigh + b
    msg = jnp.take(h, src, axis=0)
    agg = jax.ops.segment_sum(msg, dst, num_segments=num_nodes)
    deg = jax.ops.segment_sum(jnp.ones((src.shape[0],), dtype=h.dtype), dst, num_segments=num_nodes)
    deg = jnp.clip(deg, 1.0, None)
    h_neigh = agg / deg[:, None]
    return h @ W_self + h_neigh @ W_neigh + b


def reference(inputs, edge_index, W_self1, W_neigh1, b1, W_self2, W_neigh2, b2):
    src = edge_index[0]
    dst = edge_index[1]
    n = inputs.shape[0]
    h = _sage_conv(inputs, src, dst, n, W_self1, W_neigh1, b1)
    h = jax.nn.relu(h)
    h = _sage_conv(h, src, dst, n, W_self2, W_neigh2, b2)
    return h

if __name__ == "__main__":
    import jax
    _d = setup_inputs()
    print(jax.jit(kernel)(*tuple(_d.values())))

</pallas_src>

<mosaic_0001>
#map = affine_map<(d0, d1) -> (0, 0)>
#map1 = affine_map<(d0, d1) -> (0, 0, 0)>
#map2 = affine_map<(d0, d1) -> (0, 0, 0, 0)>
module attributes {stable_mosaic.version = 14 : i64} {
  func.func @body(%arg0: i32, %arg1: i32, %arg2: memref<10000x128xf32, #tpu.memory_space<hbm>>, %arg3: memref<32x80x125xi32, #tpu.memory_space<hbm>>, %arg4: memref<32x80x125xi32, #tpu.memory_space<hbm>>, %arg5: memref<2x16x625x128xf32, #tpu.memory_space<hbm>>, %arg6: memref<80x125xi32, #tpu.memory_space<vmem>>, %arg7: memref<80x125xi32, #tpu.memory_space<vmem>>, %arg8: memref<125x128xf32, #tpu.memory_space<vmem>>, %arg9: memref<10000x128xf32, #tpu.memory_space<vmem_shared>>, %arg10: memref<!tpu.dma_semaphore, #tpu.memory_space<semaphore_mem>>) attributes {dimension_semantics = [#tpu.dimension_semantics<core_parallel>, #tpu.dimension_semantics<subcore_parallel>], iteration_bounds = array<i64: 2, 16>, scalar_prefetch = 0 : i64, scratch_operands = 5 : i64, tpu.core_type = #tpu.core_type<sc_vector_subcore>, window_params = [{transform_indices = #map}, {transform_indices = #map1}, {transform_indices = #map1}, {transform_indices = #map2}]} {
    %mul3A = arith.constant 2 : i32
    %mul3A_0 = arith.muli %arg1, %mul3A : i32
    %add3A = arith.addi %mul3A_0, %arg0 : i32
    "tpu.region"() ({
      %run_scoped3A = tpu.sem_alloc : memref<!tpu.dma_semaphore, #tpu.memory_space<semaphore_mem>>
      %dma_start3A = arith.constant 0 : i32
      %dma_start3A_26 = arith.constant 0 : i32
      %dma_start3A_27 = tpu.memref_slice %arg3[%add3A, %dma_start3A, %dma_start3A_26] : memref<32x80x125xi32, #tpu.memory_space<hbm>> -> memref<1x80x125xi32, #tpu.memory_space<hbm>>
      %dma_start3A_28 = tpu.memref_squeeze %dma_start3A_27 : memref<1x80x125xi32, #tpu.memory_space<hbm>> -> memref<80x125xi32, #tpu.memory_space<hbm>>
      %dma_start3A_29 = arith.constant 0 : i32
      %dma_start3A_30 = arith.constant 0 : i32
      %dma_start3A_31 = tpu.memref_slice %arg3[%add3A, %dma_start3A_29, %dma_start3A_30] : memref<32x80x125xi32, #tpu.memory_space<hbm>> -> memref<1x80x125xi32, #tpu.memory_space<hbm>>
      %dma_start3A_32 = tpu.memref_squeeze %dma_start3A_31 : memref<1x80x125xi32, #tpu.memory_space<hbm>> -> memref<80x125xi32, #tpu.memory_space<hbm>>
      tpu.enqueue_dma source(%dma_start3A_32 : memref<80x125xi32, #tpu.memory_space<hbm>>) target(%arg6 : memref<80x125xi32, #tpu.memory_space<vmem>>) target_semaphore(%run_scoped3A : memref<!tpu.dma_semaphore, #tpu.memory_space<semaphore_mem>>)
      %dma_wait3A = arith.constant 0 : i32
      %dma_wait3A_33 = arith.constant 0 : i32
      %dma_wait3A_34 = tpu.memref_slice %arg3[%add3A, %dma_wait3A, %dma_wait3A_33] : memref<32x80x125xi32, #tpu.memory_space<hbm>> -> memref<1x80x125xi32, #tpu.memory_space<hbm>>
      %dma_wait3A_35 = tpu.memref_squeeze %dma_wait3A_34 : memref<1x80x125xi32, #tpu.memory_space<hbm>> -> memref<80x125xi32, #tpu.memory_space<hbm>>
      %dma_wait3A_36 = arith.constant 0 : i32
      %dma_wait3A_37 = arith.constant 0 : i32
      %dma_wait3A_38 = tpu.memref_slice %arg3[%add3A, %dma_wait3A_36, %dma_wait3A_37] : memref<32x80x125xi32, #tpu.memory_space<hbm>> -> memref<1x80x125xi32, #tpu.memory_space<hbm>>
      %dma_wait3A_39 = tpu.memref_squeeze %dma_wait3A_38 : memref<1x80x125xi32, #tpu.memory_space<hbm>> -> memref<80x125xi32, #tpu.memory_space<hbm>>
      tpu.wait_dma2 semaphore(%run_scoped3A : memref<!tpu.dma_semaphore, #tpu.memory_space<semaphore_mem>>) src(%dma_wait3A_39 : memref<80x125xi32, #tpu.memory_space<hbm>>) dst(%arg6 : memref<80x125xi32, #tpu.memory_space<vmem>>)
      tpu.yield
    }) : () -> ()
    "tpu.region"() ({
      %run_scoped3A = tpu.sem_alloc : memref<!tpu.dma_semaphore, #tpu.memory_space<semaphore_mem>>
      %dma_start3A = arith.constant 0 : i32
      %dma_start3A_26 = arith.constant 0 : i32
      %dma_start3A_27 = tpu.memref_slice %arg4[%add3A, %dma_start3A, %dma_start3A_26] : memref<32x80x125xi32, #tpu.memory_space<hbm>> -> memref<1x80x125xi32, #tpu.memory_space<hbm>>
      %dma_start3A_28 = tpu.memref_squeeze %dma_start3A_27 : memref<1x80x125xi32, #tpu.memory_space<hbm>> -> memref<80x125xi32, #tpu.memory_space<hbm>>
      %dma_start3A_29 = arith.constant 0 : i32
      %dma_start3A_30 = arith.constant 0 : i32
      %dma_start3A_31 = tpu.memref_slice %arg4[%add3A, %dma_start3A_29, %dma_start3A_30] : memref<32x80x125xi32, #tpu.memory_space<hbm>> -> memref<1x80x125xi32, #tpu.memory_space<hbm>>
      %dma_start3A_32 = tpu.memref_squeeze %dma_start3A_31 : memref<1x80x125xi32, #tpu.memory_space<hbm>> -> memref<80x125xi32, #tpu.memory_space<hbm>>
      tpu.enqueue_dma source(%dma_start3A_32 : memref<80x125xi32, #tpu.memory_space<hbm>>) target(%arg7 : memref<80x125xi32, #tpu.memory_space<vmem>>) target_semaphore(%run_scoped3A : memref<!tpu.dma_semaphore, #tpu.memory_space<semaphore_mem>>)
      %dma_wait3A = arith.constant 0 : i32
      %dma_wait3A_33 = arith.constant 0 : i32
      %dma_wait3A_34 = tpu.memref_slice %arg4[%add3A, %dma_wait3A, %dma_wait3A_33] : memref<32x80x125xi32, #tpu.memory_space<hbm>> -> memref<1x80x125xi32, #tpu.memory_space<hbm>>
      %dma_wait3A_35 = tpu.memref_squeeze %dma_wait3A_34 : memref<1x80x125xi32, #tpu.memory_space<hbm>> -> memref<80x125xi32, #tpu.memory_space<hbm>>
      %dma_wait3A_36 = arith.constant 0 : i32
      %dma_wait3A_37 = arith.constant 0 : i32
      %dma_wait3A_38 = tpu.memref_slice %arg4[%add3A, %dma_wait3A_36, %dma_wait3A_37] : memref<32x80x125xi32, #tpu.memory_space<hbm>> -> memref<1x80x125xi32, #tpu.memory_space<hbm>>
      %dma_wait3A_39 = tpu.memref_squeeze %dma_wait3A_38 : memref<1x80x125xi32, #tpu.memory_space<hbm>> -> memref<80x125xi32, #tpu.memory_space<hbm>>
      tpu.wait_dma2 semaphore(%run_scoped3A : memref<!tpu.dma_semaphore, #tpu.memory_space<semaphore_mem>>) src(%dma_wait3A_39 : memref<80x125xi32, #tpu.memory_space<hbm>>) dst(%arg7 : memref<80x125xi32, #tpu.memory_space<vmem>>)
      tpu.yield
    }) : () -> ()
    %broadcast_in_dim3A = arith.constant 0.000000e+00 : f32
    %broadcast_in_dim3A_1 = vector.broadcast %broadcast_in_dim3A : f32 to vector<16xf32>
    %scan3A = arith.constant 0 : i32
    %scan3A_2 = arith.constant 0 : i32
    %scan3A_3 = arith.constant 125 : i32
    %scan3A_4 = arith.addi %scan3A_2, %scan3A_3 : i32
    %scan3A_5 = arith.constant 1 : i32
    scf.for %scan3A_26 = %scan3A_2 to %scan3A_4 step %scan3A_5  : i32 {
      %swap3A = arith.index_cast %scan3A_26 : i32 to index
      %swap3A_27 = arith.constant 0 : index
      %swap3A_28 = tpu.vector_load %arg8[%swap3A, %swap3A_27] {strides = array<i32>} : memref<125x128xf32, #tpu.memory_space<vmem>>, vector<1x16xf32>,
      %swap3A_29 = vector.shape_cast %swap3A_28 : vector<1x16xf32> to vector<16xf32>
      %swap3A_30 = vector.shape_cast %broadcast_in_dim3A_1 : vector<16xf32> to vector<1x16xf32>
      tpu.vector_store %arg8[%swap3A, %swap3A_27], %swap3A_30 {strides = array<i32>} : memref<125x128xf32, #tpu.memory_space<vmem>>, vector<1x16xf32>,
      %swap3A_31 = arith.index_cast %scan3A_26 : i32 to index
      %swap3A_32 = arith.constant 16 : index
      %swap3A_33 = tpu.vector_load %arg8[%swap3A_31, %swap3A_32] {strides = array<i32>} : memref<125x128xf32, #tpu.memory_space<vmem>>, vector<1x16xf32>,
      %swap3A_34 = vector.shape_cast %swap3A_33 : vector<1x16xf32> to vector<16xf32>
      %swap3A_35 = vector.shape_cast %broadcast_in_dim3A_1 : vector<16xf32> to vector<1x16xf32>
      tpu.vector_store %arg8[%swap3A_31, %swap3A_32], %swap3A_35 {strides = array<i32>} : memref<125x128xf32, #tpu.memory_space<vmem>>, vector<1x16xf32>,
      %swap3A_36 = arith.index_cast %scan3A_26 : i32 to index
      %swap3A_37 = arith.constant 32 : index
      %swap3A_38 = tpu.vector_load %arg8[%swap3A_36, %swap3A_37] {strides = array<i32>} : memref<125x128xf32, #tpu.memory_space<vmem>>, vector<1x16xf32>,
      %swap3A_39 = vector.shape_cast %swap3A_38 : vector<1x16xf32> to vector<16xf32>
      %swap3A_40 = vector.shape_cast %broadcast_in_dim3A_1 : vector<16xf32> to vector<1x16xf32>
      tpu.vector_store %arg8[%swap3A_36, %swap3A_37], %swap3A_40 {strides = array<i32>} : memref<125x128xf32, #tpu.memory_space<vmem>>, vector<1x16xf32>,
      %swap3A_41 = arith.index_cast %scan3A_26 : i32 to index
      %swap3A_42 = arith.constant 48 : index
      %swap3A_43 = tpu.vector_load %arg8[%swap3A_41, %swap3A_42] {strides = array<i32>} : memref<125x128xf32, #tpu.memory_space<vmem>>, vector<1x16xf32>,
      %swap3A_44 = vector.shape_cast %swap3A_43 : vector<1x16xf32> to vector<16xf32>
      %swap3A_45 = vector.shape_cast %broadcast_in_dim3A_1 : vector<16xf32> to vector<1x16xf32>
      tpu.vector_store %arg8[%swap3A_41, %swap3A_42], %swap3A_45 {strides = array<i32>} : memref<125x128xf32, #tpu.memory_space<vmem>>, vector<1x16xf32>,
      %swap3A_46 = arith.index_cast %scan3A_26 : i32 to index
      %swap3A_47 = arith.constant 64 : index
      %swap3A_48 = tpu.vector_load %arg8[%swap3A_46, %swap3A_47] {strides = array<i32>} : memref<125x128xf32, #tpu.memory_space<vmem>>, vector<1x16xf32>,
      %swap3A_49 = vector.shape_cast %swap3A_48 : vector<1x16xf32> to vector<16xf32>
      %swap3A_50 = vector.shape_cast %broadcast_in_dim3A_1 : vector<16xf32> to vector<1x16xf32>
      tpu.vector_store %arg8[%swap3A_46, %swap3A_47], %swap3A_50 {strides = array<i32>} : memref<125x128xf32, #tpu.memory_space<vmem>>, vector<1x16xf32>,
      %swap3A_51 = arith.index_cast %scan3A_26 : i32 to index
      %swap3A_52 = arith.constant 80 : index
      %swap3A_53 = tpu.vector_load %arg8[%swap3A_51, %swap3A_52] {strides = array<i32>} : memref<125x128xf32, #tpu.memory_space<vmem>>, vector<1x16xf32>,
      %swap3A_54 = vector.shape_cast %swap3A_53 : vector<1x16xf32> to vector<16xf32>
      %swap3A_55 = vector.shape_cast %broadcast_in_dim3A_1 : vector<16xf32> to vector<1x16xf32>
      tpu.vector_store %arg8[%swap3A_51, %swap3A_52], %swap3A_55 {strides = array<i32>} : memref<125x128xf32, #tpu.memory_space<vmem>>, vector<1x16xf32>,
      %swap3A_56 = arith.index_cast %scan3A_26 : i32 to index
      %swap3A_57 = arith.constant 96 : index
      %swap3A_58 = tpu.vector_load %arg8[%swap3A_56, %swap3A_57] {strides = array<i32>} : memref<125x128xf32, #tpu.memory_space<vmem>>, vector<1x16xf32>,
      %swap3A_59 = vector.shape_cast %swap3A_58 : vector<1x16xf32> to vector<16xf32>
      %swap3A_60 = vector.shape_cast %broadcast_in_dim3A_1 : vector<16xf32> to vector<1x16xf32>
      tpu.vector_store %arg8[%swap3A_56, %swap3A_57], %swap3A_60 {strides = array<i32>} : memref<125x128xf32, #tpu.memory_space<vmem>>, vector<1x16xf32>,
      %swap3A_61 = arith.index_cast %scan3A_26 : i32 to index
      %swap3A_62 = arith.constant 112 : index
      %swap3A_63 = tpu.vector_load %arg8[%swap3A_61, %swap3A_62] {strides = array<i32>} : memref<125x128xf32, #tpu.memory_space<vmem>>, vector<1x16xf32>,
      %swap3A_64 = vector.shape_cast %swap3A_63 : vector<1x16xf32> to vector<16xf32>
      %swap3A_65 = vector.shape_cast %broadcast_in_dim3A_1 : vector<16xf32> to vector<1x16xf32>
      tpu.vector_store %arg8[%swap3A_61, %swap3A_62], %swap3A_65 {strides = array<i32>} : memref<125x128xf32, #tpu.memory_space<vmem>>, vector<1x16xf32>,
    }
    %scan3A_6 = arith.constant 125 : i32
    %mul3A_7 = arith.constant 625 : i32
    %mul3A_8 = arith.muli %arg1, %mul3A_7 : i32
    %add3A_9 = arith.constant 0 : i32
    %add3A_10 = arith.addi %mul3A_8, %add3A_9 : i32
    "tpu.region"() ({
      %run_scoped3A = tpu.sem_alloc : memref<!tpu.dma_semaphore, #tpu.memory_space<semaphore_mem>>
      %dma_start3A = arith.constant 0 : i32
      %dma_start3A_26 = tpu.memref_slice %arg9[%add3A_10, %dma_start3A] : memref<10000x128xf32, #tpu.memory_space<vmem_shared>> -> memref<125x128xf32, #tpu.memory_space<vmem_shared>>
      %dma_start3A_27 = arith.constant 0 : i32
      %dma_start3A_28 = tpu.memref_slice %arg9[%add3A_10, %dma_start3A_27] : memref<10000x128xf32, #tpu.memory_space<vmem_shared>> -> memref<125x128xf32, #tpu.memory_space<vmem_shared>>
      tpu.enqueue_dma source(%arg8 : memref<125x128xf32, #tpu.memory_space<vmem>>) target(%dma_start3A_28 : memref<125x128xf32, #tpu.memory_space<vmem_shared>>) target_semaphore(%run_scoped3A : memref<!tpu.dma_semaphore, #tpu.memory_space<semaphore_mem>>)
      %dma_wait3A = arith.constant 0 : i32
      %dma_wait3A_29 = tpu.memref_slice %arg9[%add3A_10, %dma_wait3A] : memref<10000x128xf32, #tpu.memory_space<vmem_shared>> -> memref<125x128xf32, #tpu.memory_space<vmem_shared>>
      %dma_wait3A_30 = arith.constant 0 : i32
      %dma_wait3A_31 = tpu.memref_slice %arg9[%add3A_10, %dma_wait3A_30] : memref<10000x128xf32, #tpu.memory_space<vmem_shared>> -> memref<125x128xf32, #tpu.memory_space<vmem_shared>>
      tpu.wait_dma2 semaphore(%run_scoped3A : memref<!tpu.dma_semaphore, #tpu.memory_space<semaphore_mem>>) src(%arg8 : memref<125x128xf32, #tpu.memory_space<vmem>>) dst(%dma_wait3A_31 : memref<125x128xf32, #tpu.memory_space<vmem_shared>>)
      tpu.yield
    }) : () -> ()
    %add3A_11 = arith.constant 125 : i32
    %add3A_12 = arith.addi %mul3A_8, %add3A_11 : i32
    "tpu.region"() ({
      %run_scoped3A = tpu.sem_alloc : memref<!tpu.dma_semaphore, #tpu.memory_space<semaphore_mem>>
      %dma_start3A = arith.constant 0 : i32
      %dma_start3A_26 = tpu.memref_slice %arg9[%add3A_12, %dma_start3A] : memref<10000x128xf32, #tpu.memory_space<vmem_shared>> -> memref<125x128xf32, #tpu.memory_space<vmem_shared>>
      %dma_start3A_27 = arith.constant 0 : i32
      %dma_start3A_28 = tpu.memref_slice %arg9[%add3A_12, %dma_start3A_27] : memref<10000x128xf32, #tpu.memory_space<vmem_shared>> -> memref<125x128xf32, #tpu.memory_space<vmem_shared>>
      tpu.enqueue_dma source(%arg8 : memref<125x128xf32, #tpu.memory_space<vmem>>) target(%dma_start3A_28 : memref<125x128xf32, #tpu.memory_space<vmem_shared>>) target_semaphore(%run_scoped3A : memref<!tpu.dma_semaphore, #tpu.memory_space<semaphore_mem>>)
      %dma_wait3A = arith.constant 0 : i32
      %dma_wait3A_29 = tpu.memref_slice %arg9[%add3A_12, %dma_wait3A] : memref<10000x128xf32, #tpu.memory_space<vmem_shared>> -> memref<125x128xf32, #tpu.memory_space<vmem_shared>>
      %dma_wait3A_30 = arith.constant 0 : i32
      %dma_wait3A_31 = tpu.memref_slice %arg9[%add3A_12, %dma_wait3A_30] : memref<10000x128xf32, #tpu.memory_space<vmem_shared>> -> memref<125x128xf32, #tpu.memory_space<vmem_shared>>
      tpu.wait_dma2 semaphore(%run_scoped3A : memref<!tpu.dma_semaphore, #tpu.memory_space<semaphore_mem>>) src(%arg8 : memref<125x128xf32, #tpu.memory_space<vmem>>) dst(%dma_wait3A_31 : memref<125x128xf32, #tpu.memory_space<vmem_shared>>)
      tpu.yield
    }) : () -> ()
    %add3A_13 = arith.constant 250 : i32
    %add3A_14 = arith.addi %mul3A_8, %add3A_13 : i32
    "tpu.region"() ({
      %run_scoped3A = tpu.sem_alloc : memref<!tpu.dma_semaphore, #tpu.memory_space<semaphore_mem>>
      %dma_start3A = arith.constant 0 : i32
      %dma_start3A_26 = tpu.memref_slice %arg9[%add3A_14, %dma_start3A] : memref<10000x128xf32, #tpu.memory_space<vmem_shared>> -> memref<125x128xf32, #tpu.memory_space<vmem_shared>>
      %dma_start3A_27 = arith.constant 0 : i32
      %dma_start3A_28 = tpu.memref_slice %arg9[%add3A_14, %dma_start3A_27] : memref<10000x128xf32, #tpu.memory_space<vmem_shared>> -> memref<125x128xf32, #tpu.memory_space<vmem_shared>>
      tpu.enqueue_dma source(%arg8 : memref<125x128xf32, #tpu.memory_space<vmem>>) target(%dma_start3A_28 : memref<125x128xf32, #tpu.memory_space<vmem_shared>>) target_semaphore(%run_scoped3A : memref<!tpu.dma_semaphore, #tpu.memory_space<semaphore_mem>>)
      %dma_wait3A = arith.constant 0 : i32
      %dma_wait3A_29 = tpu.memref_slice %arg9[%add3A_14, %dma_wait3A] : memref<10000x128xf32, #tpu.memory_space<vmem_shared>> -> memref<125x128xf32, #tpu.memory_space<vmem_shared>>
      %dma_wait3A_30 = arith.constant 0 : i32
      %dma_wait3A_31 = tpu.memref_slice %arg9[%add3A_14, %dma_wait3A_30] : memref<10000x128xf32, #tpu.memory_space<vmem_shared>> -> memref<125x128xf32, #tpu.memory_space<vmem_shared>>
      tpu.wait_dma2 semaphore(%run_scoped3A : memref<!tpu.dma_semaphore, #tpu.memory_space<semaphore_mem>>) src(%arg8 : memref<125x128xf32, #tpu.memory_space<vmem>>) dst(%dma_wait3A_31 : memref<125x128xf32, #tpu.memory_space<vmem_shared>>)
      tpu.yield
    }) : () -> ()
    %add3A_15 = arith.constant 375 : i32
    %add3A_16 = arith.addi %mul3A_8, %add3A_15 : i32
    "tpu.region"() ({
      %run_scoped3A = tpu.sem_alloc : memref<!tpu.dma_semaphore, #tpu.memory_space<semaphore_mem>>
      %dma_start3A = arith.constant 0 : i32
      %dma_start3A_26 = tpu.memref_slice %arg9[%add3A_16, %dma_start3A] : memref<10000x128xf32, #tpu.memory_space<vmem_shared>> -> memref<125x128xf32, #tpu.memory_space<vmem_shared>>
      %dma_start3A_27 = arith.constant 0 : i32
      %dma_start3A_28 = tpu.memref_slice %arg9[%add3A_16, %dma_start3A_27] : memref<10000x128xf32, #tpu.memory_space<vmem_shared>> -> memref<125x128xf32, #tpu.memory_space<vmem_shared>>
      tpu.enqueue_dma source(%arg8 : memref<125x128xf32, #tpu.memory_space<vmem>>) target(%dma_start3A_28 : memref<125x128xf32, #tpu.memory_space<vmem_shared>>) target_semaphore(%run_scoped3A : memref<!tpu.dma_semaphore, #tpu.memory_space<semaphore_mem>>)
      %dma_wait3A = arith.constant 0 : i32
      %dma_wait3A_29 = tpu.memref_slice %arg9[%add3A_16, %dma_wait3A] : memref<10000x128xf32, #tpu.memory_space<vmem_shared>> -> memref<125x128xf32, #tpu.memory_space<vmem_shared>>
      %dma_wait3A_30 = arith.constant 0 : i32
      %dma_wait3A_31 = tpu.memref_slice %arg9[%add3A_16, %dma_wait3A_30] : memref<10000x128xf32, #tpu.memory_space<vmem_shared>> -> memref<125x128xf32, #tpu.memory_space<vmem_shared>>
      tpu.wait_dma2 semaphore(%run_scoped3A : memref<!tpu.dma_semaphore, #tpu.memory_space<semaphore_mem>>) src(%arg8 : memref<125x128xf32, #tpu.memory_space<vmem>>) dst(%dma_wait3A_31 : memref<125x128xf32, #tpu.memory_space<vmem_shared>>)
      tpu.yield
    }) : () -> ()
    %add3A_17 = arith.constant 500 : i32
    %add3A_18 = arith.addi %mul3A_8, %add3A_17 : i32
    "tpu.region"() ({
      %run_scoped3A = tpu.sem_alloc : memref<!tpu.dma_semaphore, #tpu.memory_space<semaphore_mem>>
      %dma_start3A = arith.constant 0 : i32
      %dma_start3A_26 = tpu.memref_slice %arg9[%add3A_18, %dma_start3A] : memref<10000x128xf32, #tpu.memory_space<vmem_shared>> -> memref<125x128xf32, #tpu.memory_space<vmem_shared>>
      %dma_start3A_27 = arith.constant 0 : i32
      %dma_start3A_28 = tpu.memref_slice %arg9[%add3A_18, %dma_start3A_27] : memref<10000x128xf32, #tpu.memory_space<vmem_shared>> -> memref<125x128xf32, #tpu.memory_space<vmem_shared>>
      tpu.enqueue_dma source(%arg8 : memref<125x128xf32, #tpu.memory_space<vmem>>) target(%dma_start3A_28 : memref<125x128xf32, #tpu.memory_space<vmem_shared>>) target_semaphore(%run_scoped3A : memref<!tpu.dma_semaphore, #tpu.memory_space<semaphore_mem>>)
      %dma_wait3A = arith.constant 0 : i32
      %dma_wait3A_29 = tpu.memref_slice %arg9[%add3A_18, %dma_wait3A] : memref<10000x128xf32, #tpu.memory_space<vmem_shared>> -> memref<125x128xf32, #tpu.memory_space<vmem_shared>>
      %dma_wait3A_30 = arith.constant 0 : i32
      %dma_wait3A_31 = tpu.memref_slice %arg9[%add3A_18, %dma_wait3A_30] : memref<10000x128xf32, #tpu.memory_space<vmem_shared>> -> memref<125x128xf32, #tpu.memory_space<vmem_shared>>
      tpu.wait_dma2 semaphore(%run_scoped3A : memref<!tpu.dma_semaphore, #tpu.memory_space<semaphore_mem>>) src(%arg8 : memref<125x128xf32, #tpu.memory_space<vmem>>) dst(%dma_wait3A_31 : memref<125x128xf32, #tpu.memory_space<vmem_shared>>)
      tpu.yield
    }) : () -> ()
    %barrier3A = arith.constant 0 : index
    tpu.barrier barrier_id(%barrier3A)
    %scan3A_19 = arith.constant 0 : i32
    %scan3A_20 = arith.constant 0 : i32
    %scan3A_21 = arith.constant 80 : i32
    %scan3A_22 = arith.addi %scan3A_20, %scan3A_21 : i32
    %scan3A_23 = arith.constant 1 : i32
    scf.for %scan3A_26 = %scan3A_20 to %scan3A_22 step %scan3A_23  : i32 {
      %dma_start3A = arith.constant 0 : i32
      %dma_start3A_27 = tpu.memref_slice %arg6[%scan3A_26, %dma_start3A] : memref<80x125xi32, #tpu.memory_space<vmem>> -> memref<1x125xi32, #tpu.memory_space<vmem>>
      %dma_start3A_28 = tpu.memref_squeeze %dma_start3A_27 : memref<1x125xi32, #tpu.memory_space<vmem>> -> memref<125xi32, #tpu.memory_space<vmem>>
      %dma_start3A_29 = arith.constant 0 : i32
      %dma_start3A_30 = arith.constant 0 : i32
      %dma_start3A_31 = tpu.memref_slice %arg2[%dma_start3A_29, %dma_start3A_30] : memref<10000x128xf32, #tpu.memory_space<hbm>> -> memref<10000x128xf32, #tpu.memory_space<hbm>>
      tpu.enqueue_indirect_dma source(%dma_start3A_31 : memref<10000x128xf32, #tpu.memory_space<hbm>>) target(%arg8 : memref<125x128xf32, #tpu.memory_space<vmem>>) offsets(%dma_start3A_28 : memref<125xi32, #tpu.memory_space<vmem>>) semaphore(%arg10 : memref<!tpu.dma_semaphore, #tpu.memory_space<semaphore_mem>>)
      %dma_wait3A = arith.constant 0 : i32
      %dma_wait3A_32 = tpu.memref_slice %arg6[%scan3A_26, %dma_wait3A] : memref<80x125xi32, #tpu.memory_space<vmem>> -> memref<1x125xi32, #tpu.memory_space<vmem>>
      %dma_wait3A_33 = tpu.memref_squeeze %dma_wait3A_32 : memref<1x125xi32, #tpu.memory_space<vmem>> -> memref<125xi32, #tpu.memory_space<vmem>>
      %dma_wait3A_34 = arith.constant 0 : i32
      %dma_wait3A_35 = arith.constant 0 : i32
      %dma_wait3A_36 = tpu.memref_slice %arg2[%dma_wait3A_34, %dma_wait3A_35] : memref<10000x128xf32, #tpu.memory_space<hbm>> -> memref<10000x128xf32, #tpu.memory_space<hbm>>
      tpu.wait_indirect_dma semaphore(%arg10 : memref<!tpu.dma_semaphore, #tpu.memory_space<semaphore_mem>>) src(%dma_wait3A_36 : memref<10000x128xf32, #tpu.memory_space<hbm>>) dst(%arg8 : memref<125x128xf32, #tpu.memory_space<vmem>>)
      "tpu.region"() ({
        %run_scoped3A = tpu.sem_alloc : memref<!tpu.dma_semaphore, #tpu.memory_space<semaphore_mem>>
        %dma_start3A_37 = arith.constant 0 : i32
        %dma_start3A_38 = tpu.memref_slice %arg7[%scan3A_26, %dma_start3A_37] : memref<80x125xi32, #tpu.memory_space<vmem>> -> memref<1x125xi32, #tpu.memory_space<vmem>>
        %dma_start3A_39 = tpu.memref_squeeze %dma_start3A_38 : memref<1x125xi32, #tpu.memory_space<vmem>> -> memref<125xi32, #tpu.memory_space<vmem>>
        %dma_start3A_40 = arith.constant 0 : i32
        %dma_start3A_41 = arith.constant 0 : i32
        %dma_start3A_42 = tpu.memref_slice %arg9[%dma_start3A_40, %dma_start3A_41] : memref<10000x128xf32, #tpu.memory_space<vmem_shared>> -> memref<10000x128xf32, #tpu.memory_space<vmem_shared>>
        tpu.enqueue_indirect_dma source(%arg8 : memref<125x128xf32, #tpu.memory_space<vmem>>) target(%dma_start3A_42 : memref<10000x128xf32, #tpu.memory_space<vmem_shared>>) offsets(%dma_start3A_39 : memref<125xi32, #tpu.memory_space<vmem>>) semaphore(%run_scoped3A : memref<!tpu.dma_semaphore, #tpu.memory_space<semaphore_mem>>) {add = true}
        %dma_wait3A_43 = arith.constant 0 : i32
        %dma_wait3A_44 = tpu.memref_slice %arg7[%scan3A_26, %dma_wait3A_43] : memref<80x125xi32, #tpu.memory_space<vmem>> -> memref<1x125xi32, #tpu.memory_space<vmem>>
        %dma_wait3A_45 = tpu.memref_squeeze %dma_wait3A_44 : memref<1x125xi32, #tpu.memory_space<vmem>> -> memref<125xi32, #tpu.memory_space<vmem>>
        %dma_wait3A_46 = arith.constant 0 : i32
        %dma_wait3A_47 = arith.constant 0 : i32
        %dma_wait3A_48 = tpu.memref_slice %arg9[%dma_wait3A_46, %dma_wait3A_47] : memref<10000x128xf32, #tpu.memory_space<vmem_shared>> -> memref<10000x128xf32, #tpu.memory_space<vmem_shared>>
        tpu.wait_indirect_dma semaphore(%run_scoped3A : memref<!tpu.dma_semaphore, #tpu.memory_space<semaphore_mem>>) src(%arg8 : memref<125x128xf32, #tpu.memory_space<vmem>>) dst(%dma_wait3A_48 : memref<10000x128xf32, #tpu.memory_space<vmem_shared>>)
        tpu.yield
      }) : () -> ()
    }
    %scan3A_24 = arith.constant 80 : i32
    %barrier3A_25 = arith.constant 0 : index
    tpu.barrier barrier_id(%barrier3A_25)
    "tpu.region"() ({
      %run_scoped3A = tpu.sem_alloc : memref<!tpu.dma_semaphore, #tpu.memory_space<semaphore_mem>>
      %dma_start3A = arith.constant 0 : i32
      %dma_start3A_26 = arith.constant 0 : i32
      %dma_start3A_27 = tpu.memref_slice %arg5[%arg0, %arg1, %dma_start3A, %dma_start3A_26] : memref<2x16x625x128xf32, #tpu.memory_space<hbm>> -> memref<1x1x625x128xf32, #tpu.memory_space<hbm>>
      %dma_start3A_28 = tpu.memref_squeeze %dma_start3A_27 : memref<1x1x625x128xf32, #tpu.memory_space<hbm>> -> memref<625x128xf32, #tpu.memory_space<hbm>>
      %dma_start3A_29 = arith.constant 0 : i32
      %dma_start3A_30 = tpu.memref_slice %arg9[%mul3A_8, %dma_start3A_29] : memref<10000x128xf32, #tpu.memory_space<vmem_shared>> -> memref<625x128xf32, #tpu.memory_space<vmem_shared>>
      tpu.enqueue_dma source(%dma_start3A_30 : memref<625x128xf32, #tpu.memory_space<vmem_shared>>) target(%dma_start3A_28 : memref<625x128xf32, #tpu.memory_space<hbm>>) target_semaphore(%run_scoped3A : memref<!tpu.dma_semaphore, #tpu.memory_space<semaphore_mem>>)
      %dma_wait3A = arith.constant 0 : i32
      %dma_wait3A_31 = arith.constant 0 : i32
      %dma_wait3A_32 = tpu.memref_slice %arg5[%arg0, %arg1, %dma_wait3A, %dma_wait3A_31] : memref<2x16x625x128xf32, #tpu.memory_space<hbm>> -> memref<1x1x625x128xf32, #tpu.memory_space<hbm>>
      %dma_wait3A_33 = tpu.memref_squeeze %dma_wait3A_32 : memref<1x1x625x128xf32, #tpu.memory_space<hbm>> -> memref<625x128xf32, #tpu.memory_space<hbm>>
      %dma_wait3A_34 = arith.constant 0 : i32
      %dma_wait3A_35 = tpu.memref_slice %arg9[%mul3A_8, %dma_wait3A_34] : memref<10000x128xf32, #tpu.memory_space<vmem_shared>> -> memref<625x128xf32, #tpu.memory_space<vmem_shared>>
      tpu.wait_dma2 semaphore(%run_scoped3A : memref<!tpu.dma_semaphore, #tpu.memory_space<semaphore_mem>>) src(%dma_wait3A_35 : memref<625x128xf32, #tpu.memory_space<vmem_shared>>) dst(%dma_wait3A_33 : memref<625x128xf32, #tpu.memory_space<hbm>>)
      tpu.yield
    }) : () -> ()
    return
  }
}

#map = affine_map<(d0, d1) -> (0, 0)>
#map1 = affine_map<(d0, d1) -> (0, 0, 0)>
#map2 = affine_map<(d0, d1) -> (0, 0, 0, 0)>
module attributes {stable_mosaic.version = 14 : i64} {
  func.func @body(%arg0: i32, %arg1: i32, %arg2: memref<10000x128xf32, #tpu.memory_space<hbm>>, %arg3: memref<32x80x125xi32, #tpu.memory_space<hbm>>, %arg4: memref<32x80x125xi32, #tpu.memory_space<hbm>>, %arg5: memref<2x16x625x128xf32, #tpu.memory_space<hbm>>, %arg6: memref<80x125xi32, #tpu.memory_space<vmem>>, %arg7: memref<80x125xi32, #tpu.memory_space<vmem>>, %arg8: memref<125x128xf32, #tpu.memory_space<vmem>>, %arg9: memref<10000x128xf32, #tpu.memory_space<vmem_shared>>, %arg10: memref<!tpu.dma_semaphore, #tpu.memory_space<semaphore_mem>>) attributes {dimension_semantics = [#tpu.dimension_semantics<core_parallel>, #tpu.dimension_semantics<subcore_parallel>], iteration_bounds = array<i64: 2, 16>, scalar_prefetch = 0 : i64, scratch_operands = 5 : i64, tpu.core_type = #tpu.core_type<sc_vector_subcore>, window_params = [{transform_indices = #map}, {transform_indices = #map1}, {transform_indices = #map1}, {transform_indices = #map2}]} {
    %mul3A = arith.constant 2 : i32
    %mul3A_0 = arith.muli %arg1, %mul3A : i32
    %add3A = arith.addi %mul3A_0, %arg0 : i32
    "tpu.region"() ({
      %run_scoped3A = tpu.sem_alloc : memref<!tpu.dma_semaphore, #tpu.memory_space<semaphore_mem>>
      %dma_start3A = arith.constant 0 : i32
      %dma_start3A_26 = arith.constant 0 : i32
      %dma_start3A_27 = tpu.memref_slice %arg3[%add3A, %dma_start3A, %dma_start3A_26] : memref<32x80x125xi32, #tpu.memory_space<hbm>> -> memref<1x80x125xi32, #tpu.memory_space<hbm>>
      %dma_start3A_28 = tpu.memref_squeeze %dma_start3A_27 : memref<1x80x125xi32, #tpu.memory_space<hbm>> -> memref<80x125xi32, #tpu.memory_space<hbm>>
      %dma_start3A_29 = arith.constant 0 : i32
      %dma_start3A_30 = arith.constant 0 : i32
      %dma_start3A_31 = tpu.memref_slice %arg3[%add3A, %dma_start3A_29, %dma_start3A_30] : memref<32x80x125xi32, #tpu.memory_space<hbm>> -> memref<1x80x125xi32, #tpu.memory_space<hbm>>
      %dma_start3A_32 = tpu.memref_squeeze %dma_start3A_31 : memref<1x80x125xi32, #tpu.memory_space<hbm>> -> memref<80x125xi32, #tpu.memory_space<hbm>>
      tpu.enqueue_dma source(%dma_start3A_32 : memref<80x125xi32, #tpu.memory_space<hbm>>) target(%arg6 : memref<80x125xi32, #tpu.memory_space<vmem>>) target_semaphore(%run_scoped3A : memref<!tpu.dma_semaphore, #tpu.memory_space<semaphore_mem>>)
      %dma_wait3A = arith.constant 0 : i32
      %dma_wait3A_33 = arith.constant 0 : i32
      %dma_wait3A_34 = tpu.memref_slice %arg3[%add3A, %dma_wait3A, %dma_wait3A_33] : memref<32x80x125xi32, #tpu.memory_space<hbm>> -> memref<1x80x125xi32, #tpu.memory_space<hbm>>
      %dma_wait3A_35 = tpu.memref_squeeze %dma_wait3A_34 : memref<1x80x125xi32, #tpu.memory_space<hbm>> -> memref<80x125xi32, #tpu.memory_space<hbm>>
      %dma_wait3A_36 = arith.constant 0 : i32
      %dma_wait3A_37 = arith.constant 0 : i32
      %dma_wait3A_38 = tpu.memref_slice %arg3[%add3A, %dma_wait3A_36, %dma_wait3A_37] : memref<32x80x125xi32, #tpu.memory_space<hbm>> -> memref<1x80x125xi32, #tpu.memory_space<hbm>>
      %dma_wait3A_39 = tpu.memref_squeeze %dma_wait3A_38 : memref<1x80x125xi32, #tpu.memory_space<hbm>> -> memref<80x125xi32, #tpu.memory_space<hbm>>
      tpu.wait_dma2 semaphore(%run_scoped3A : memref<!tpu.dma_semaphore, #tpu.memory_space<semaphore_mem>>) src(%dma_wait3A_39 : memref<80x125xi32, #tpu.memory_space<hbm>>) dst(%arg6 : memref<80x125xi32, #tpu.memory_space<vmem>>)
      tpu.yield
    }) : () -> ()
    "tpu.region"() ({
      %run_scoped3A = tpu.sem_alloc : memref<!tpu.dma_semaphore, #tpu.memory_space<semaphore_mem>>
      %dma_start3A = arith.constant 0 : i32
      %dma_start3A_26 = arith.constant 0 : i32
      %dma_start3A_27 = tpu.memref_slice %arg4[%add3A, %dma_start3A, %dma_start3A_26] : memref<32x80x125xi32, #tpu.memory_space<hbm>> -> memref<1x80x125xi32, #tpu.memory_space<hbm>>
      %dma_start3A_28 = tpu.memref_squeeze %dma_start3A_27 : memref<1x80x125xi32, #tpu.memory_space<hbm>> -> memref<80x125xi32, #tpu.memory_space<hbm>>
      %dma_start3A_29 = arith.constant 0 : i32
      %dma_start3A_30 = arith.constant 0 : i32
      %dma_start3A_31 = tpu.memref_slice %arg4[%add3A, %dma_start3A_29, %dma_start3A_30] : memref<32x80x125xi32, #tpu.memory_space<hbm>> -> memref<1x80x125xi32, #tpu.memory_space<hbm>>
      %dma_start3A_32 = tpu.memref_squeeze %dma_start3A_31 : memref<1x80x125xi32, #tpu.memory_space<hbm>> -> memref<80x125xi32, #tpu.memory_space<hbm>>
      tpu.enqueue_dma source(%dma_start3A_32 : memref<80x125xi32, #tpu.memory_space<hbm>>) target(%arg7 : memref<80x125xi32, #tpu.memory_space<vmem>>) target_semaphore(%run_scoped3A : memref<!tpu.dma_semaphore, #tpu.memory_space<semaphore_mem>>)
      %dma_wait3A = arith.constant 0 : i32
      %dma_wait3A_33 = arith.constant 0 : i32
      %dma_wait3A_34 = tpu.memref_slice %arg4[%add3A, %dma_wait3A, %dma_wait3A_33] : memref<32x80x125xi32, #tpu.memory_space<hbm>> -> memref<1x80x125xi32, #tpu.memory_space<hbm>>
      %dma_wait3A_35 = tpu.memref_squeeze %dma_wait3A_34 : memref<1x80x125xi32, #tpu.memory_space<hbm>> -> memref<80x125xi32, #tpu.memory_space<hbm>>
      %dma_wait3A_36 = arith.constant 0 : i32
      %dma_wait3A_37 = arith.constant 0 : i32
      %dma_wait3A_38 = tpu.memref_slice %arg4[%add3A, %dma_wait3A_36, %dma_wait3A_37] : memref<32x80x125xi32, #tpu.memory_space<hbm>> -> memref<1x80x125xi32, #tpu.memory_space<hbm>>
      %dma_wait3A_39 = tpu.memref_squeeze %dma_wait3A_38 : memref<1x80x125xi32, #tpu.memory_space<hbm>> -> memref<80x125xi32, #tpu.memory_space<hbm>>
      tpu.wait_dma2 semaphore(%run_scoped3A : memref<!tpu.dma_semaphore, #tpu.memory_space<semaphore_mem>>) src(%dma_wait3A_39 : memref<80x125xi32, #tpu.memory_space<hbm>>) dst(%arg7 : memref<80x125xi32, #tpu.memory_space<vmem>>)
      tpu.yield
    }) : () -> ()
    %broadcast_in_dim3A = arith.constant 0.000000e+00 : f32
    %broadcast_in_dim3A_1 = vector.broadcast %broadcast_in_dim3A : f32 to vector<16xf32>
    %scan3A = arith.constant 0 : i32
    %scan3A_2 = arith.constant 0 : i32
    %scan3A_3 = arith.constant 125 : i32
    %scan3A_4 = arith.addi %scan3A_2, %scan3A_3 : i32
    %scan3A_5 = arith.constant 1 : i32
    scf.for %scan3A_26 = %scan3A_2 to %scan3A_4 step %scan3A_5  : i32 {
      %swap3A = arith.index_cast %scan3A_26 : i32 to index
      %swap3A_27 = arith.constant 0 : index
      %swap3A_28 = tpu.vector_load %arg8[%swap3A, %swap3A_27] {strides = array<i32>} : memref<125x128xf32, #tpu.memory_space<vmem>>, vector<1x16xf32>,
      %swap3A_29 = vector.shape_cast %swap3A_28 : vector<1x16xf32> to vector<16xf32>
      %swap3A_30 = vector.shape_cast %broadcast_in_dim3A_1 : vector<16xf32> to vector<1x16xf32>
      tpu.vector_store %arg8[%swap3A, %swap3A_27], %swap3A_30 {strides = array<i32>} : memref<125x128xf32, #tpu.memory_space<vmem>>, vector<1x16xf32>,
      %swap3A_31 = arith.index_cast %scan3A_26 : i32 to index
      %swap3A_32 = arith.constant 16 : index
      %swap3A_33 = tpu.vector_load %arg8[%swap3A_31, %swap3A_32] {strides = array<i32>} : memref<125x128xf32, #tpu.memory_space<vmem>>, vector<1x16xf32>,
      %swap3A_34 = vector.shape_cast %swap3A_33 : vector<1x16xf32> to vector<16xf32>
      %swap3A_35 = vector.shape_cast %broadcast_in_dim3A_1 : vector<16xf32> to vector<1x16xf32>
      tpu.vector_store %arg8[%swap3A_31, %swap3A_32], %swap3A_35 {strides = array<i32>} : memref<125x128xf32, #tpu.memory_space<vmem>>, vector<1x16xf32>,
      %swap3A_36 = arith.index_cast %scan3A_26 : i32 to index
      %swap3A_37 = arith.constant 32 : index
      %swap3A_38 = tpu.vector_load %arg8[%swap3A_36, %swap3A_37] {strides = array<i32>} : memref<125x128xf32, #tpu.memory_space<vmem>>, vector<1x16xf32>,
      %swap3A_39 = vector.shape_cast %swap3A_38 : vector<1x16xf32> to vector<16xf32>
      %swap3A_40 = vector.shape_cast %broadcast_in_dim3A_1 : vector<16xf32> to vector<1x16xf32>
      tpu.vector_store %arg8[%swap3A_36, %swap3A_37], %swap3A_40 {strides = array<i32>} : memref<125x128xf32, #tpu.memory_space<vmem>>, vector<1x16xf32>,
      %swap3A_41 = arith.index_cast %scan3A_26 : i32 to index
      %swap3A_42 = arith.constant 48 : index
      %swap3A_43 = tpu.vector_load %arg8[%swap3A_41, %swap3A_42] {strides = array<i32>} : memref<125x128xf32, #tpu.memory_space<vmem>>, vector<1x16xf32>,
      %swap3A_44 = vector.shape_cast %swap3A_43 : vector<1x16xf32> to vector<16xf32>
      %swap3A_45 = vector.shape_cast %broadcast_in_dim3A_1 : vector<16xf32> to vector<1x16xf32>
      tpu.vector_store %arg8[%swap3A_41, %swap3A_42], %swap3A_45 {strides = array<i32>} : memref<125x128xf32, #tpu.memory_space<vmem>>, vector<1x16xf32>,
      %swap3A_46 = arith.index_cast %scan3A_26 : i32 to index
      %swap3A_47 = arith.constant 64 : index
      %swap3A_48 = tpu.vector_load %arg8[%swap3A_46, %swap3A_47] {strides = array<i32>} : memref<125x128xf32, #tpu.memory_space<vmem>>, vector<1x16xf32>,
      %swap3A_49 = vector.shape_cast %swap3A_48 : vector<1x16xf32> to vector<16xf32>
      %swap3A_50 = vector.shape_cast %broadcast_in_dim3A_1 : vector<16xf32> to vector<1x16xf32>
      tpu.vector_store %arg8[%swap3A_46, %swap3A_47], %swap3A_50 {strides = array<i32>} : memref<125x128xf32, #tpu.memory_space<vmem>>, vector<1x16xf32>,
      %swap3A_51 = arith.index_cast %scan3A_26 : i32 to index
      %swap3A_52 = arith.constant 80 : index
      %swap3A_53 = tpu.vector_load %arg8[%swap3A_51, %swap3A_52] {strides = array<i32>} : memref<125x128xf32, #tpu.memory_space<vmem>>, vector<1x16xf32>,
      %swap3A_54 = vector.shape_cast %swap3A_53 : vector<1x16xf32> to vector<16xf32>
      %swap3A_55 = vector.shape_cast %broadcast_in_dim3A_1 : vector<16xf32> to vector<1x16xf32>
      tpu.vector_store %arg8[%swap3A_51, %swap3A_52], %swap3A_55 {strides = array<i32>} : memref<125x128xf32, #tpu.memory_space<vmem>>, vector<1x16xf32>,
      %swap3A_56 = arith.index_cast %scan3A_26 : i32 to index
      %swap3A_57 = arith.constant 96 : index
      %swap3A_58 = tpu.vector_load %arg8[%swap3A_56, %swap3A_57] {strides = array<i32>} : memref<125x128xf32, #tpu.memory_space<vmem>>, vector<1x16xf32>,
      %swap3A_59 = vector.shape_cast %swap3A_58 : vector<1x16xf32> to vector<16xf32>
      %swap3A_60 = vector.shape_cast %broadcast_in_dim3A_1 : vector<16xf32> to vector<1x16xf32>
      tpu.vector_store %arg8[%swap3A_56, %swap3A_57], %swap3A_60 {strides = array<i32>} : memref<125x128xf32, #tpu.memory_space<vmem>>, vector<1x16xf32>,
      %swap3A_61 = arith.index_cast %scan3A_26 : i32 to index
      %swap3A_62 = arith.constant 112 : index
      %swap3A_63 = tpu.vector_load %arg8[%swap3A_61, %swap3A_62] {strides = array<i32>} : memref<125x128xf32, #tpu.memory_space<vmem>>, vector<1x16xf32>,
      %swap3A_64 = vector.shape_cast %swap3A_63 : vector<1x16xf32> to vector<16xf32>
      %swap3A_65 = vector.shape_cast %broadcast_in_dim3A_1 : vector<16xf32> to vector<1x16xf32>
      tpu.vector_store %arg8[%swap3A_61, %swap3A_62], %swap3A_65 {strides = array<i32>} : memref<125x128xf32, #tpu.memory_space<vmem>>, vector<1x16xf32>,
    }
    %scan3A_6 = arith.constant 125 : i32
    %mul3A_7 = arith.constant 625 : i32
    %mul3A_8 = arith.muli %arg1, %mul3A_7 : i32
    %add3A_9 = arith.constant 0 : i32
    %add3A_10 = arith.addi %mul3A_8, %add3A_9 : i32
    "tpu.region"() ({
      %run_scoped3A = tpu.sem_alloc : memref<!tpu.dma_semaphore, #tpu.memory_space<semaphore_mem>>
      %dma_start3A = arith.constant 0 : i32
      %dma_start3A_26 = tpu.memref_slice %arg9[%add3A_10, %dma_start3A] : memref<10000x128xf32, #tpu.memory_space<vmem_shared>> -> memref<125x128xf32, #tpu.memory_space<vmem_shared>>
      %dma_start3A_27 = arith.constant 0 : i32
      %dma_start3A_28 = tpu.memref_slice %arg9[%add3A_10, %dma_start3A_27] : memref<10000x128xf32, #tpu.memory_space<vmem_shared>> -> memref<125x128xf32, #tpu.memory_space<vmem_shared>>
      tpu.enqueue_dma source(%arg8 : memref<125x128xf32, #tpu.memory_space<vmem>>) target(%dma_start3A_28 : memref<125x128xf32, #tpu.memory_space<vmem_shared>>) target_semaphore(%run_scoped3A : memref<!tpu.dma_semaphore, #tpu.memory_space<semaphore_mem>>)
      %dma_wait3A = arith.constant 0 : i32
      %dma_wait3A_29 = tpu.memref_slice %arg9[%add3A_10, %dma_wait3A] : memref<10000x128xf32, #tpu.memory_space<vmem_shared>> -> memref<125x128xf32, #tpu.memory_space<vmem_shared>>
      %dma_wait3A_30 = arith.constant 0 : i32
      %dma_wait3A_31 = tpu.memref_slice %arg9[%add3A_10, %dma_wait3A_30] : memref<10000x128xf32, #tpu.memory_space<vmem_shared>> -> memref<125x128xf32, #tpu.memory_space<vmem_shared>>
      tpu.wait_dma2 semaphore(%run_scoped3A : memref<!tpu.dma_semaphore, #tpu.memory_space<semaphore_mem>>) src(%arg8 : memref<125x128xf32, #tpu.memory_space<vmem>>) dst(%dma_wait3A_31 : memref<125x128xf32, #tpu.memory_space<vmem_shared>>)
      tpu.yield
    }) : () -> ()
    %add3A_11 = arith.constant 125 : i32
    %add3A_12 = arith.addi %mul3A_8, %add3A_11 : i32
    "tpu.region"() ({
      %run_scoped3A = tpu.sem_alloc : memref<!tpu.dma_semaphore, #tpu.memory_space<semaphore_mem>>
      %dma_start3A = arith.constant 0 : i32
      %dma_start3A_26 = tpu.memref_slice %arg9[%add3A_12, %dma_start3A] : memref<10000x128xf32, #tpu.memory_space<vmem_shared>> -> memref<125x128xf32, #tpu.memory_space<vmem_shared>>
      %dma_start3A_27 = arith.constant 0 : i32
      %dma_start3A_28 = tpu.memref_slice %arg9[%add3A_12, %dma_start3A_27] : memref<10000x128xf32, #tpu.memory_space<vmem_shared>> -> memref<125x128xf32, #tpu.memory_space<vmem_shared>>
      tpu.enqueue_dma source(%arg8 : memref<125x128xf32, #tpu.memory_space<vmem>>) target(%dma_start3A_28 : memref<125x128xf32, #tpu.memory_space<vmem_shared>>) target_semaphore(%run_scoped3A : memref<!tpu.dma_semaphore, #tpu.memory_space<semaphore_mem>>)
      %dma_wait3A = arith.constant 0 : i32
      %dma_wait3A_29 = tpu.memref_slice %arg9[%add3A_12, %dma_wait3A] : memref<10000x128xf32, #tpu.memory_space<vmem_shared>> -> memref<125x128xf32, #tpu.memory_space<vmem_shared>>
      %dma_wait3A_30 = arith.constant 0 : i32
      %dma_wait3A_31 = tpu.memref_slice %arg9[%add3A_12, %dma_wait3A_30] : memref<10000x128xf32, #tpu.memory_space<vmem_shared>> -> memref<125x128xf32, #tpu.memory_space<vmem_shared>>
      tpu.wait_dma2 semaphore(%run_scoped3A : memref<!tpu.dma_semaphore, #tpu.memory_space<semaphore_mem>>) src(%arg8 : memref<125x128xf32, #tpu.memory_space<vmem>>) dst(%dma_wait3A_31 : memref<125x128xf32, #tpu.memory_space<vmem_shared>>)
      tpu.yield
    }) : () -> ()
    %add3A_13 = arith.constant 250 : i32
    %add3A_14 = arith.addi %mul3A_8, %add3A_13 : i32
    "tpu.region"() ({
      %run_scoped3A = tpu.sem_alloc : memref<!tpu.dma_semaphore, #tpu.memory_space<semaphore_mem>>
      %dma_start3A = arith.constant 0 : i32
      %dma_start3A_26 = tpu.memref_slice %arg9[%add3A_14, %dma_start3A] : memref<10000x128xf32, #tpu.memory_space<vmem_shared>> -> memref<125x128xf32, #tpu.memory_space<vmem_shared>>
      %dma_start3A_27 = arith.constant 0 : i32
      %dma_start3A_28 = tpu.memref_slice %arg9[%add3A_14, %dma_start3A_27] : memref<10000x128xf32, #tpu.memory_space<vmem_shared>> -> memref<125x128xf32, #tpu.memory_space<vmem_shared>>
      tpu.enqueue_dma source(%arg8 : memref<125x128xf32, #tpu.memory_space<vmem>>) target(%dma_start3A_28 : memref<125x128xf32, #tpu.memory_space<vmem_shared>>) target_semaphore(%run_scoped3A : memref<!tpu.dma_semaphore, #tpu.memory_space<semaphore_mem>>)
      %dma_wait3A = arith.constant 0 : i32
      %dma_wait3A_29 = tpu.memref_slice %arg9[%add3A_14, %dma_wait3A] : memref<10000x128xf32, #tpu.memory_space<vmem_shared>> -> memref<125x128xf32, #tpu.memory_space<vmem_shared>>
      %dma_wait3A_30 = arith.constant 0 : i32
      %dma_wait3A_31 = tpu.memref_slice %arg9[%add3A_14, %dma_wait3A_30] : memref<10000x128xf32, #tpu.memory_space<vmem_shared>> -> memref<125x128xf32, #tpu.memory_space<vmem_shared>>
      tpu.wait_dma2 semaphore(%run_scoped3A : memref<!tpu.dma_semaphore, #tpu.memory_space<semaphore_mem>>) src(%arg8 : memref<125x128xf32, #tpu.memory_space<vmem>>) dst(%dma_wait3A_31 : memref<125x128xf32, #tpu.memory_space<vmem_shared>>)
      tpu.yield
    }) : () -> ()
    %add3A_15 = arith.constant 375 : i32
    %add3A_16 = arith.addi %mul3A_8, %add3A_15 : i32
    "tpu.region"() ({
      %run_scoped3A = tpu.sem_alloc : memref<!tpu.dma_semaphore, #tpu.memory_space<semaphore_mem>>
      %dma_start3A = arith.constant 0 : i32
      %dma_start3A_26 = tpu.memref_slice %arg9[%add3A_16, %dma_start3A] : memref<10000x128xf32, #tpu.memory_space<vmem_shared>> -> memref<125x128xf32, #tpu.memory_space<vmem_shared>>
      %dma_start3A_27 = arith.constant 0 : i32
      %dma_start3A_28 = tpu.memref_slice %arg9[%add3A_16, %dma_start3A_27] : memref<10000x128xf32, #tpu.memory_space<vmem_shared>> -> memref<125x128xf32, #tpu.memory_space<vmem_shared>>
      tpu.enqueue_dma source(%arg8 : memref<125x128xf32, #tpu.memory_space<vmem>>) target(%dma_start3A_28 : memref<125x128xf32, #tpu.memory_space<vmem_shared>>) target_semaphore(%run_scoped3A : memref<!tpu.dma_semaphore, #tpu.memory_space<semaphore_mem>>)
      %dma_wait3A = arith.constant 0 : i32
      %dma_wait3A_29 = tpu.memref_slice %arg9[%add3A_16, %dma_wait3A] : memref<10000x128xf32, #tpu.memory_space<vmem_shared>> -> memref<125x128xf32, #tpu.memory_space<vmem_shared>>
      %dma_wait3A_30 = arith.constant 0 : i32
      %dma_wait3A_31 = tpu.memref_slice %arg9[%add3A_16, %dma_wait3A_30] : memref<10000x128xf32, #tpu.memory_space<vmem_shared>> -> memref<125x128xf32, #tpu.memory_space<vmem_shared>>
      tpu.wait_dma2 semaphore(%run_scoped3A : memref<!tpu.dma_semaphore, #tpu.memory_space<semaphore_mem>>) src(%arg8 : memref<125x128xf32, #tpu.memory_space<vmem>>) dst(%dma_wait3A_31 : memref<125x128xf32, #tpu.memory_space<vmem_shared>>)
      tpu.yield
    }) : () -> ()
    %add3A_17 = arith.constant 500 : i32
    %add3A_18 = arith.addi %mul3A_8, %add3A_17 : i32
    "tpu.region"() ({
      %run_scoped3A = tpu.sem_alloc : memref<!tpu.dma_semaphore, #tpu.memory_space<semaphore_mem>>
      %dma_start3A = arith.constant 0 : i32
      %dma_start3A_26 = tpu.memref_slice %arg9[%add3A_18, %dma_start3A] : memref<10000x128xf32, #tpu.memory_space<vmem_shared>> -> memref<125x128xf32, #tpu.memory_space<vmem_shared>>
      %dma_start3A_27 = arith.constant 0 : i32
      %dma_start3A_28 = tpu.memref_slice %arg9[%add3A_18, %dma_start3A_27] : memref<10000x128xf32, #tpu.memory_space<vmem_shared>> -> memref<125x128xf32, #tpu.memory_space<vmem_shared>>
      tpu.enqueue_dma source(%arg8 : memref<125x128xf32, #tpu.memory_space<vmem>>) target(%dma_start3A_28 : memref<125x128xf32, #tpu.memory_space<vmem_shared>>) target_semaphore(%run_scoped3A : memref<!tpu.dma_semaphore, #tpu.memory_space<semaphore_mem>>)
      %dma_wait3A = arith.constant 0 : i32
      %dma_wait3A_29 = tpu.memref_slice %arg9[%add3A_18, %dma_wait3A] : memref<10000x128xf32, #tpu.memory_space<vmem_shared>> -> memref<125x128xf32, #tpu.memory_space<vmem_shared>>
      %dma_wait3A_30 = arith.constant 0 : i32
      %dma_wait3A_31 = tpu.memref_slice %arg9[%add3A_18, %dma_wait3A_30] : memref<10000x128xf32, #tpu.memory_space<vmem_shared>> -> memref<125x128xf32, #tpu.memory_space<vmem_shared>>
      tpu.wait_dma2 semaphore(%run_scoped3A : memref<!tpu.dma_semaphore, #tpu.memory_space<semaphore_mem>>) src(%arg8 : memref<125x128xf32, #tpu.memory_space<vmem>>) dst(%dma_wait3A_31 : memref<125x128xf32, #tpu.memory_space<vmem_shared>>)
      tpu.yield
    }) : () -> ()
    %barrier3A = arith.constant 0 : index
    tpu.barrier barrier_id(%barrier3A)
    %scan3A_19 = arith.constant 0 : i32
    %scan3A_20 = arith.constant 0 : i32
    %scan3A_21 = arith.constant 80 : i32
    %scan3A_22 = arith.addi %scan3A_20, %scan3A_21 : i32
    %scan3A_23 = arith.constant 1 : i32
    scf.for %scan3A_26 = %scan3A_20 to %scan3A_22 step %scan3A_23  : i32 {
      %dma_start3A = arith.constant 0 : i32
      %dma_start3A_27 = tpu.memref_slice %arg6[%scan3A_26, %dma_start3A] : memref<80x125xi32, #tpu.memory_space<vmem>> -> memref<1x125xi32, #tpu.memory_space<vmem>>
      %dma_start3A_28 = tpu.memref_squeeze %dma_start3A_27 : memref<1x125xi32, #tpu.memory_space<vmem>> -> memref<125xi32, #tpu.memory_space<vmem>>
      %dma_start3A_29 = arith.constant 0 : i32
      %dma_start3A_30 = arith.constant 0 : i32
      %dma_start3A_31 = tpu.memref_slice %arg2[%dma_start3A_29, %dma_start3A_30] : memref<10000x128xf32, #tpu.memory_space<hbm>> -> memref<10000x128xf32, #tpu.memory_space<hbm>>
      tpu.enqueue_indirect_dma source(%dma_start3A_31 : memref<10000x128xf32, #tpu.memory_space<hbm>>) target(%arg8 : memref<125x128xf32, #tpu.memory_space<vmem>>) offsets(%dma_start3A_28 : memref<125xi32, #tpu.memory_space<vmem>>) semaphore(%arg10 : memref<!tpu.dma_semaphore, #tpu.memory_space<semaphore_mem>>)
      %dma_wait3A = arith.constant 0 : i32
      %dma_wait3A_32 = tpu.memref_slice %arg6[%scan3A_26, %dma_wait3A] : memref<80x125xi32, #tpu.memory_space<vmem>> -> memref<1x125xi32, #tpu.memory_space<vmem>>
      %dma_wait3A_33 = tpu.memref_squeeze %dma_wait3A_32 : memref<1x125xi32, #tpu.memory_space<vmem>> -> memref<125xi32, #tpu.memory_space<vmem>>
      %dma_wait3A_34 = arith.constant 0 : i32
      %dma_wait3A_35 = arith.constant 0 : i32
      %dma_wait3A_36 = tpu.memref_slice %arg2[%dma_wait3A_34, %dma_wait3A_35] : memref<10000x128xf32, #tpu.memory_space<hbm>> -> memref<10000x128xf32, #tpu.memory_space<hbm>>
      tpu.wait_indirect_dma semaphore(%arg10 : memref<!tpu.dma_semaphore, #tpu.memory_space<semaphore_mem>>) src(%dma_wait3A_36 : memref<10000x128xf32, #tpu.memory_space<hbm>>) dst(%arg8 : memref<125x128xf32, #tpu.memory_space<vmem>>)
      "tpu.region"() ({
        %run_scoped3A = tpu.sem_alloc : memref<!tpu.dma_semaphore, #tpu.memory_space<semaphore_mem>>
        %dma_start3A_37 = arith.constant 0 : i32
        %dma_start3A_38 = tpu.memref_slice %arg7[%scan3A_26, %dma_start3A_37] : memref<80x125xi32, #tpu.memory_space<vmem>> -> memref<1x125xi32, #tpu.memory_space<vmem>>
        %dma_start3A_39 = tpu.memref_squeeze %dma_start3A_38 : memref<1x125xi32, #tpu.memory_space<vmem>> -> memref<125xi32, #tpu.memory_space<vmem>>
        %dma_start3A_40 = arith.constant 0 : i32
        %dma_start3A_41 = arith.constant 0 : i32
        %dma_start3A_42 = tpu.memref_slice %arg9[%dma_start3A_40, %dma_start3A_41] : memref<10000x128xf32, #tpu.memory_space<vmem_shared>> -> memref<10000x128xf32, #tpu.memory_space<vmem_shared>>
        tpu.enqueue_indirect_dma source(%arg8 : memref<125x128xf32, #tpu.memory_space<vmem>>) target(%dma_start3A_42 : memref<10000x128xf32, #tpu.memory_space<vmem_shared>>) offsets(%dma_start3A_39 : memref<125xi32, #tpu.memory_space<vmem>>) semaphore(%run_scoped3A : memref<!tpu.dma_semaphore, #tpu.memory_space<semaphore_mem>>) {add = true}
        %dma_wait3A_43 = arith.constant 0 : i32
        %dma_wait3A_44 = tpu.memref_slice %arg7[%scan3A_26, %dma_wait3A_43] : memref<80x125xi32, #tpu.memory_space<vmem>> -> memref<1x125xi32, #tpu.memory_space<vmem>>
        %dma_wait3A_45 = tpu.memref_squeeze %dma_wait3A_44 : memref<1x125xi32, #tpu.memory_space<vmem>> -> memref<125xi32, #tpu.memory_space<vmem>>
        %dma_wait3A_46 = arith.constant 0 : i32
        %dma_wait3A_47 = arith.constant 0 : i32
        %dma_wait3A_48 = tpu.memref_slice %arg9[%dma_wait3A_46, %dma_wait3A_47] : memref<10000x128xf32, #tpu.memory_space<vmem_shared>> -> memref<10000x128xf32, #tpu.memory_space<vmem_shared>>
        tpu.wait_indirect_dma semaphore(%run_scoped3A : memref<!tpu.dma_semaphore, #tpu.memory_space<semaphore_mem>>) src(%arg8 : memref<125x128xf32, #tpu.memory_space<vmem>>) dst(%dma_wait3A_48 : memref<10000x128xf32, #tpu.memory_space<vmem_shared>>)
        tpu.yield
      }) : () -> ()
    }
    %scan3A_24 = arith.constant 80 : i32
    %barrier3A_25 = arith.constant 0 : index
    tpu.barrier barrier_id(%barrier3A_25)
    "tpu.region"() ({
      %run_scoped3A = tpu.sem_alloc : memref<!tpu.dma_semaphore, #tpu.memory_space<semaphore_mem>>
      %dma_start3A = arith.constant 0 : i32
      %dma_start3A_26 = arith.constant 0 : i32
      %dma_start3A_27 = tpu.memref_slice %arg5[%arg0, %arg1, %dma_start3A, %dma_start3A_26] : memref<2x16x625x128xf32, #tpu.memory_space<hbm>> -> memref<1x1x625x128xf32, #tpu.memory_space<hbm>>
      %dma_start3A_28 = tpu.memref_squeeze %dma_start3A_27 : memref<1x1x625x128xf32, #tpu.memory_space<hbm>> -> memref<625x128xf32, #tpu.memory_space<hbm>>
      %dma_start3A_29 = arith.constant 0 : i32
      %dma_start3A_30 = tpu.memref_slice %arg9[%mul3A_8, %dma_start3A_29] : memref<10000x128xf32, #tpu.memory_space<vmem_shared>> -> memref<625x128xf32, #tpu.memory_space<vmem_shared>>
      tpu.enqueue_dma source(%dma_start3A_30 : memref<625x128xf32, #tpu.memory_space<vmem_shared>>) target(%dma_start3A_28 : memref<625x128xf32, #tpu.memory_space<hbm>>) target_semaphore(%run_scoped3A : memref<!tpu.dma_semaphore, #tpu.memory_space<semaphore_mem>>)
      %dma_wait3A = arith.constant 0 : i32
      %dma_wait3A_31 = arith.constant 0 : i32
      %dma_wait3A_32 = tpu.memref_slice %arg5[%arg0, %arg1, %dma_wait3A, %dma_wait3A_31] : memref<2x16x625x128xf32, #tpu.memory_space<hbm>> -> memref<1x1x625x128xf32, #tpu.memory_space<hbm>>
      %dma_wait3A_33 = tpu.memref_squeeze %dma_wait3A_32 : memref<1x1x625x128xf32, #tpu.memory_space<hbm>> -> memref<625x128xf32, #tpu.memory_space<hbm>>
      %dma_wait3A_34 = arith.constant 0 : i32
      %dma_wait3A_35 = tpu.memref_slice %arg9[%mul3A_8, %dma_wait3A_34] : memref<10000x128xf32, #tpu.memory_space<vmem_shared>> -> memref<625x128xf32, #tpu.memory_space<vmem_shared>>
      tpu.wait_dma2 semaphore(%run_scoped3A : memref<!tpu.dma_semaphore, #tpu.memory_space<semaphore_mem>>) src(%dma_wait3A_35 : memref<625x128xf32, #tpu.memory_space<vmem_shared>>) dst(%dma_wait3A_33 : memref<625x128xf32, #tpu.memory_space<hbm>>)
      tpu.yield
    }) : () -> ()
    return
  }
}

#map = affine_map<(d0, d1) -> (0, 0)>
#map1 = affine_map<(d0, d1) -> (0, 0, 0)>
module attributes {stable_mosaic.version = 14 : i64} {
  func.func @body(%arg0: i32, %arg1: i32, %arg2: memref<32x10000xi32, #tpu.memory_space<hbm>>, %arg3: memref<2x16x640xf32, #tpu.memory_space<hbm>>, %arg4: memref<10000xi32, #tpu.memory_space<vmem>>, %arg5: memref<10240xf32, #tpu.memory_space<vmem>>, %arg6: memref<16x640xf32, #tpu.memory_space<vmem>>, %arg7: memref<640xf32, #tpu.memory_space<vmem>>, %arg8: memref<16x10240xf32, #tpu.memory_space<vmem_shared>>) attributes {dimension_semantics = [#tpu.dimension_semantics<core_parallel>, #tpu.dimension_semantics<subcore_parallel>], iteration_bounds = array<i64: 2, 16>, scalar_prefetch = 0 : i64, scratch_operands = 5 : i64, tpu.core_type = #tpu.core_type<sc_vector_subcore>, window_params = [{transform_indices = #map}, {transform_indices = #map1}]} {
    %mul3A = arith.constant 2 : i32
    %mul3A_0 = arith.muli %arg1, %mul3A : i32
    %add3A = arith.addi %mul3A_0, %arg0 : i32
    "tpu.region"() ({
      %run_scoped3A = tpu.sem_alloc : memref<!tpu.dma_semaphore, #tpu.memory_space<semaphore_mem>>
      %dma_start3A = arith.constant 0 : i32
      %dma_start3A_23 = tpu.memref_slice %arg2[%add3A, %dma_start3A] : memref<32x10000xi32, #tpu.memory_space<hbm>> -> memref<1x10000xi32, #tpu.memory_space<hbm>>
      %dma_start3A_24 = tpu.memref_squeeze %dma_start3A_23 : memref<1x10000xi32, #tpu.memory_space<hbm>> -> memref<10000xi32, #tpu.memory_space<hbm>>
      %dma_start3A_25 = arith.constant 0 : i32
      %dma_start3A_26 = tpu.memref_slice %arg2[%add3A, %dma_start3A_25] : memref<32x10000xi32, #tpu.memory_space<hbm>> -> memref<1x10000xi32, #tpu.memory_space<hbm>>
      %dma_start3A_27 = tpu.memref_squeeze %dma_start3A_26 : memref<1x10000xi32, #tpu.memory_space<hbm>> -> memref<10000xi32, #tpu.memory_space<hbm>>
      tpu.enqueue_dma source(%dma_start3A_27 : memref<10000xi32, #tpu.memory_space<hbm>>) target(%arg4 : memref<10000xi32, #tpu.memory_space<vmem>>) target_semaphore(%run_scoped3A : memref<!tpu.dma_semaphore, #tpu.memory_space<semaphore_mem>>)
      %dma_wait3A = arith.constant 0 : i32
      %dma_wait3A_28 = tpu.memref_slice %arg2[%add3A, %dma_wait3A] : memref<32x10000xi32, #tpu.memory_space<hbm>> -> memref<1x10000xi32, #tpu.memory_space<hbm>>
      %dma_wait3A_29 = tpu.memref_squeeze %dma_wait3A_28 : memref<1x10000xi32, #tpu.memory_space<hbm>> -> memref<10000xi32, #tpu.memory_space<hbm>>
      %dma_wait3A_30 = arith.constant 0 : i32
      %dma_wait3A_31 = tpu.memref_slice %arg2[%add3A, %dma_wait3A_30] : memref<32x10000xi32, #tpu.memory_space<hbm>> -> memref<1x10000xi32, #tpu.memory_space<hbm>>
      %dma_wait3A_32 = tpu.memref_squeeze %dma_wait3A_31 : memref<1x10000xi32, #tpu.memory_space<hbm>> -> memref<10000xi32, #tpu.memory_space<hbm>>
      tpu.wait_dma2 semaphore(%run_scoped3A : memref<!tpu.dma_semaphore, #tpu.memory_space<semaphore_mem>>) src(%dma_wait3A_32 : memref<10000xi32, #tpu.memory_space<hbm>>) dst(%arg4 : memref<10000xi32, #tpu.memory_space<vmem>>)
      tpu.yield
    }) : () -> ()
    %broadcast_in_dim3A = arith.constant 0.000000e+00 : f32
    %broadcast_in_dim3A_1 = vector.broadcast %broadcast_in_dim3A : f32 to vector<16xf32>
    %scan3A = arith.constant 0 : i32
    %scan3A_2 = arith.constant 0 : i32
    %scan3A_3 = arith.constant 640 : i32
    %scan3A_4 = arith.addi %scan3A_2, %scan3A_3 : i32
    %scan3A_5 = arith.constant 1 : i32
    scf.for %scan3A_23 = %scan3A_2 to %scan3A_4 step %scan3A_5  : i32 {
      %mul3A_24 = arith.constant 16 : i32
      %mul3A_25 = arith.muli %scan3A_23, %mul3A_24 : i32
      %swap3A = arith.index_cast %mul3A_25 : i32 to index
      %swap3A_26 = tpu.vector_load %arg5[%swap3A] {strides = array<i32>} : memref<10240xf32, #tpu.memory_space<vmem>>, vector<16xf32>,
      tpu.vector_store %arg5[%swap3A], %broadcast_in_dim3A_1 {strides = array<i32>} : memref<10240xf32, #tpu.memory_space<vmem>>, vector<16xf32>,
    }
    %scan3A_6 = arith.constant 640 : i32
    %broadcast_in_dim3A_7 = arith.constant 1.000000e+00 : f32
    %broadcast_in_dim3A_8 = vector.broadcast %broadcast_in_dim3A_7 : f32 to vector<16xf32>
    %scan3A_9 = arith.constant 0 : i32
    %scan3A_10 = arith.constant 0 : i32
    %scan3A_11 = arith.constant 625 : i32
    %scan3A_12 = arith.addi %scan3A_10, %scan3A_11 : i32
    %scan3A_13 = arith.constant 1 : i32
    scf.for %scan3A_23 = %scan3A_10 to %scan3A_12 step %scan3A_13  : i32 {
      %mul3A_24 = arith.constant 16 : i32
      %mul3A_25 = arith.muli %scan3A_23, %mul3A_24 : i32
      %get3A = arith.index_cast %mul3A_25 : i32 to index
      %get3A_26 = tpu.vector_load %arg4[%get3A] {strides = array<i32>} : memref<10000xi32, #tpu.memory_space<vmem>>, vector<16xi32>,
      tpu.vector_store_idx %arg5[%get3A_26], %broadcast_in_dim3A_8 {add = true} : memref<10240xf32, #tpu.memory_space<vmem>>[vector<16xi32>], vector<16xf32>,
    }
    %scan3A_14 = arith.constant 625 : i32
    "tpu.region"() ({
      %run_scoped3A = tpu.sem_alloc : memref<!tpu.dma_semaphore, #tpu.memory_space<semaphore_mem>>
      %dma_start3A = arith.constant 0 : i32
      %dma_start3A_23 = tpu.memref_slice %arg8[%arg1, %dma_start3A] : memref<16x10240xf32, #tpu.memory_space<vmem_shared>> -> memref<1x10240xf32, #tpu.memory_space<vmem_shared>>
      %dma_start3A_24 = tpu.memref_squeeze %dma_start3A_23 : memref<1x10240xf32, #tpu.memory_space<vmem_shared>> -> memref<10240xf32, #tpu.memory_space<vmem_shared>>
      %dma_start3A_25 = arith.constant 0 : i32
      %dma_start3A_26 = tpu.memref_slice %arg8[%arg1, %dma_start3A_25] : memref<16x10240xf32, #tpu.memory_space<vmem_shared>> -> memref<1x10240xf32, #tpu.memory_space<vmem_shared>>
      %dma_start3A_27 = tpu.memref_squeeze %dma_start3A_26 : memref<1x10240xf32, #tpu.memory_space<vmem_shared>> -> memref<10240xf32, #tpu.memory_space<vmem_shared>>
      tpu.enqueue_dma source(%arg5 : memref<10240xf32, #tpu.memory_space<vmem>>) target(%dma_start3A_27 : memref<10240xf32, #tpu.memory_space<vmem_shared>>) target_semaphore(%run_scoped3A : memref<!tpu.dma_semaphore, #tpu.memory_space<semaphore_mem>>)
      %dma_wait3A = arith.constant 0 : i32
      %dma_wait3A_28 = tpu.memref_slice %arg8[%arg1, %dma_wait3A] : memref<16x10240xf32, #tpu.memory_space<vmem_shared>> -> memref<1x10240xf32, #tpu.memory_space<vmem_shared>>
      %dma_wait3A_29 = tpu.memref_squeeze %dma_wait3A_28 : memref<1x10240xf32, #tpu.memory_space<vmem_shared>> -> memref<10240xf32, #tpu.memory_space<vmem_shared>>
      %dma_wait3A_30 = arith.constant 0 : i32
      %dma_wait3A_31 = tpu.memref_slice %arg8[%arg1, %dma_wait3A_30] : memref<16x10240xf32, #tpu.memory_space<vmem_shared>> -> memref<1x10240xf32, #tpu.memory_space<vmem_shared>>
      %dma_wait3A_32 = tpu.memref_squeeze %dma_wait3A_31 : memref<1x10240xf32, #tpu.memory_space<vmem_shared>> -> memref<10240xf32, #tpu.memory_space<vmem_shared>>
      tpu.wait_dma2 semaphore(%run_scoped3A : memref<!tpu.dma_semaphore, #tpu.memory_space<semaphore_mem>>) src(%arg5 : memref<10240xf32, #tpu.memory_space<vmem>>) dst(%dma_wait3A_32 : memref<10240xf32, #tpu.memory_space<vmem_shared>>)
      tpu.yield
    }) : () -> ()
    %barrier3A = arith.constant 0 : index
    tpu.barrier barrier_id(%barrier3A)
    %mul3A_15 = arith.constant 640 : i32
    %mul3A_16 = arith.muli %mul3A_15, %arg1 : i32
    "tpu.region"() ({
      %run_scoped3A = tpu.sem_alloc : memref<!tpu.dma_semaphore, #tpu.memory_space<semaphore_mem>>
      %dma_start3A = arith.constant 0 : i32
      %dma_start3A_23 = tpu.memref_slice %arg8[%dma_start3A, %mul3A_16] : memref<16x10240xf32, #tpu.memory_space<vmem_shared>> -> memref<16x640xf32, #tpu.memory_space<vmem_shared>>
      %dma_start3A_24 = arith.constant 0 : i32
      %dma_start3A_25 = tpu.memref_slice %arg8[%dma_start3A_24, %mul3A_16] : memref<16x10240xf32, #tpu.memory_space<vmem_shared>> -> memref<16x640xf32, #tpu.memory_space<vmem_shared>>
      tpu.enqueue_dma source(%dma_start3A_25 : memref<16x640xf32, #tpu.memory_space<vmem_shared>>) target(%arg6 : memref<16x640xf32, #tpu.memory_space<vmem>>) target_semaphore(%run_scoped3A : memref<!tpu.dma_semaphore, #tpu.memory_space<semaphore_mem>>)
      %dma_wait3A = arith.constant 0 : i32
      %dma_wait3A_26 = tpu.memref_slice %arg8[%dma_wait3A, %mul3A_16] : memref<16x10240xf32, #tpu.memory_space<vmem_shared>> -> memref<16x640xf32, #tpu.memory_space<vmem_shared>>
      %dma_wait3A_27 = arith.constant 0 : i32
      %dma_wait3A_28 = tpu.memref_slice %arg8[%dma_wait3A_27, %mul3A_16] : memref<16x10240xf32, #tpu.memory_space<vmem_shared>> -> memref<16x640xf32, #tpu.memory_space<vmem_shared>>
      tpu.wait_dma2 semaphore(%run_scoped3A : memref<!tpu.dma_semaphore, #tpu.memory_space<semaphore_mem>>) src(%dma_wait3A_28 : memref<16x640xf32, #tpu.memory_space<vmem_shared>>) dst(%arg6 : memref<16x640xf32, #tpu.memory_space<vmem>>)
      tpu.yield
    }) : () -> ()
    %scan3A_17 = arith.constant 0 : i32
    %scan3A_18 = arith.constant 0 : i32
    %scan3A_19 = arith.constant 40 : i32
    %scan3A_20 = arith.addi %scan3A_18, %scan3A_19 : i32
    %scan3A_21 = arith.constant 1 : i32
    scf.for %scan3A_23 = %scan3A_18 to %scan3A_20 step %scan3A_21  : i32 {
      %mul3A_24 = arith.constant 16 : i32
      %mul3A_25 = arith.muli %mul3A_24, %scan3A_23 : i32
      %get3A = arith.constant 0 : i32
      %get3A_26 = arith.index_cast %get3A : i32 to index
      %get3A_27 = arith.index_cast %mul3A_25 : i32 to index
      %get3A_28 = tpu.vector_load %arg6[%get3A_26, %get3A_27] {strides = array<i32>} : memref<16x640xf32, #tpu.memory_space<vmem>>, vector<16xf32>,
      %mul3A_29 = arith.constant 16 : i32
      %mul3A_30 = arith.muli %mul3A_29, %scan3A_23 : i32
      %get3A_31 = arith.constant 1 : i32
      %get3A_32 = arith.index_cast %get3A_31 : i32 to index
      %get3A_33 = arith.index_cast %mul3A_30 : i32 to index
      %get3A_34 = tpu.vector_load %arg6[%get3A_32, %get3A_33] {strides = array<i32>} : memref<16x640xf32, #tpu.memory_space<vmem>>, vector<16xf32>,
      %add3A_35 = arith.addf %get3A_28, %get3A_34 : vector<16xf32>
      %mul3A_36 = arith.constant 16 : i32
      %mul3A_37 = arith.muli %mul3A_36, %scan3A_23 : i32
      %get3A_38 = arith.constant 2 : i32
      %get3A_39 = arith.index_cast %get3A_38 : i32 to index
      %get3A_40 = arith.index_cast %mul3A_37 : i32 to index
      %get3A_41 = tpu.vector_load %arg6[%get3A_39, %get3A_40] {strides = array<i32>} : memref<16x640xf32, #tpu.memory_space<vmem>>, vector<16xf32>,
      %add3A_42 = arith.addf %add3A_35, %get3A_41 : vector<16xf32>
      %mul3A_43 = arith.constant 16 : i32
      %mul3A_44 = arith.muli %mul3A_43, %scan3A_23 : i32
      %get3A_45 = arith.constant 3 : i32
      %get3A_46 = arith.index_cast %get3A_45 : i32 to index
      %get3A_47 = arith.index_cast %mul3A_44 : i32 to index
      %get3A_48 = tpu.vector_load %arg6[%get3A_46, %get3A_47] {strides = array<i32>} : memref<16x640xf32, #tpu.memory_space<vmem>>, vector<16xf32>,
      %add3A_49 = arith.addf %add3A_42, %get3A_48 : vector<16xf32>
      %mul3A_50 = arith.constant 16 : i32
      %mul3A_51 = arith.muli %mul3A_50, %scan3A_23 : i32
      %get3A_52 = arith.constant 4 : i32
      %get3A_53 = arith.index_cast %get3A_52 : i32 to index
      %get3A_54 = arith.index_cast %mul3A_51 : i32 to index
      %get3A_55 = tpu.vector_load %arg6[%get3A_53, %get3A_54] {strides = array<i32>} : memref<16x640xf32, #tpu.memory_space<vmem>>, vector<16xf32>,
      %add3A_56 = arith.addf %add3A_49, %get3A_55 : vector<16xf32>
      %mul3A_57 = arith.constant 16 : i32
      %mul3A_58 = arith.muli %mul3A_57, %scan3A_23 : i32
      %get3A_59 = arith.constant 5 : i32
      %get3A_60 = arith.index_cast %get3A_59 : i32 to index
      %get3A_61 = arith.index_cast %mul3A_58 : i32 to index
      %get3A_62 = tpu.vector_load %arg6[%get3A_60, %get3A_61] {strides = array<i32>} : memref<16x640xf32, #tpu.memory_space<vmem>>, vector<16xf32>,
      %add3A_63 = arith.addf %add3A_56, %get3A_62 : vector<16xf32>
      %mul3A_64 = arith.constant 16 : i32
      %mul3A_65 = arith.muli %mul3A_64, %scan3A_23 : i32
      %get3A_66 = arith.constant 6 : i32
      %get3A_67 = arith.index_cast %get3A_66 : i32 to index
      %get3A_68 = arith.index_cast %mul3A_65 : i32 to index
      %get3A_69 = tpu.vector_load %arg6[%get3A_67, %get3A_68] {strides = array<i32>} : memref<16x640xf32, #tpu.memory_space<vmem>>, vector<16xf32>,
      %add3A_70 = arith.addf %add3A_63, %get3A_69 : vector<16xf32>
      %mul3A_71 = arith.constant 16 : i32
      %mul3A_72 = arith.muli %mul3A_71, %scan3A_23 : i32
      %get3A_73 = arith.constant 7 : i32
      %get3A_74 = arith.index_cast %get3A_73 : i32 to index
      %get3A_75 = arith.index_cast %mul3A_72 : i32 to index
      %get3A_76 = tpu.vector_load %arg6[%get3A_74, %get3A_75] {strides = array<i32>} : memref<16x640xf32, #tpu.memory_space<vmem>>, vector<16xf32>,
      %add3A_77 = arith.addf %add3A_70, %get3A_76 : vector<16xf32>
      %mul3A_78 = arith.constant 16 : i32
      %mul3A_79 = arith.muli %mul3A_78, %scan3A_23 : i32
      %get3A_80 = arith.constant 8 : i32
      %get3A_81 = arith.index_cast %get3A_80 : i32 to index
      %get3A_82 = arith.index_cast %mul3A_79 : i32 to index
      %get3A_83 = tpu.vector_load %arg6[%get3A_81, %get3A_82] {strides = array<i32>} : memref<16x640xf32, #tpu.memory_space<vmem>>, vector<16xf32>,
      %add3A_84 = arith.addf %add3A_77, %get3A_83 : vector<16xf32>
      %mul3A_85 = arith.constant 16 : i32
      %mul3A_86 = arith.muli %mul3A_85, %scan3A_23 : i32
      %get3A_87 = arith.constant 9 : i32
      %get3A_88 = arith.index_cast %get3A_87 : i32 to index
      %get3A_89 = arith.index_cast %mul3A_86 : i32 to index
      %get3A_90 = tpu.vector_load %arg6[%get3A_88, %get3A_89] {strides = array<i32>} : memref<16x640xf32, #tpu.memory_space<vmem>>, vector<16xf32>,
      %add3A_91 = arith.addf %add3A_84, %get3A_90 : vector<16xf32>
      %mul3A_92 = arith.constant 16 : i32
      %mul3A_93 = arith.muli %mul3A_92, %scan3A_23 : i32
      %get3A_94 = arith.constant 10 : i32
      %get3A_95 = arith.index_cast %get3A_94 : i32 to index
      %get3A_96 = arith.index_cast %mul3A_93 : i32 to index
      %get3A_97 = tpu.vector_load %arg6[%get3A_95, %get3A_96] {strides = array<i32>} : memref<16x640xf32, #tpu.memory_space<vmem>>, vector<16xf32>,
      %add3A_98 = arith.addf %add3A_91, %get3A_97 : vector<16xf32>
      %mul3A_99 = arith.constant 16 : i32
      %mul3A_100 = arith.muli %mul3A_99, %scan3A_23 : i32
      %get3A_101 = arith.constant 11 : i32
      %get3A_102 = arith.index_cast %get3A_101 : i32 to index
      %get3A_103 = arith.index_cast %mul3A_100 : i32 to index
      %get3A_104 = tpu.vector_load %arg6[%get3A_102, %get3A_103] {strides = array<i32>} : memref<16x640xf32, #tpu.memory_space<vmem>>, vector<16xf32>,
      %add3A_105 = arith.addf %add3A_98, %get3A_104 : vector<16xf32>
      %mul3A_106 = arith.constant 16 : i32
      %mul3A_107 = arith.muli %mul3A_106, %scan3A_23 : i32
      %get3A_108 = arith.constant 12 : i32
      %get3A_109 = arith.index_cast %get3A_108 : i32 to index
      %get3A_110 = arith.index_cast %mul3A_107 : i32 to index
      %get3A_111 = tpu.vector_load %arg6[%get3A_109, %get3A_110] {strides = array<i32>} : memref<16x640xf32, #tpu.memory_space<vmem>>, vector<16xf32>,
      %add3A_112 = arith.addf %add3A_105, %get3A_111 : vector<16xf32>
      %mul3A_113 = arith.constant 16 : i32
      %mul3A_114 = arith.muli %mul3A_113, %scan3A_23 : i32
      %get3A_115 = arith.constant 13 : i32
      %get3A_116 = arith.index_cast %get3A_115 : i32 to index
      %get3A_117 = arith.index_cast %mul3A_114 : i32 to index
      %get3A_118 = tpu.vector_load %arg6[%get3A_116, %get3A_117] {strides = array<i32>} : memref<16x640xf32, #tpu.memory_space<vmem>>, vector<16xf32>,
      %add3A_119 = arith.addf %add3A_112, %get3A_118 : vector<16xf32>
      %mul3A_120 = arith.constant 16 : i32
      %mul3A_121 = arith.muli %mul3A_120, %scan3A_23 : i32
      %get3A_122 = arith.constant 14 : i32
      %get3A_123 = arith.index_cast %get3A_122 : i32 to index
      %get3A_124 = arith.index_cast %mul3A_121 : i32 to index
      %get3A_125 = tpu.vector_load %arg6[%get3A_123, %get3A_124] {strides = array<i32>} : memref<16x640xf32, #tpu.memory_space<vmem>>, vector<16xf32>,
      %add3A_126 = arith.addf %add3A_119, %get3A_125 : vector<16xf32>
      %mul3A_127 = arith.constant 16 : i32
      %mul3A_128 = arith.muli %mul3A_127, %scan3A_23 : i32
      %get3A_129 = arith.constant 15 : i32
      %get3A_130 = arith.index_cast %get3A_129 : i32 to index
      %get3A_131 = arith.index_cast %mul3A_128 : i32 to index
      %get3A_132 = tpu.vector_load %arg6[%get3A_130, %get3A_131] {strides = array<i32>} : memref<16x640xf32, #tpu.memory_space<vmem>>, vector<16xf32>,
      %add3A_133 = arith.addf %add3A_126, %get3A_132 : vector<16xf32>
      %mul3A_134 = arith.constant 16 : i32
      %mul3A_135 = arith.muli %mul3A_134, %scan3A_23 : i32
      %swap3A = arith.index_cast %mul3A_135 : i32 to index
      %swap3A_136 = tpu.vector_load %arg7[%swap3A] {strides = array<i32>} : memref<640xf32, #tpu.memory_space<vmem>>, vector<16xf32>,
      tpu.vector_store %arg7[%swap3A], %add3A_133 {strides = array<i32>} : memref<640xf32, #tpu.memory_space<vmem>>, vector<16xf32>,
    }
    %scan3A_22 = arith.constant 40 : i32
    "tpu.region"() ({
      %run_scoped3A = tpu.sem_alloc : memref<!tpu.dma_semaphore, #tpu.memory_space<semaphore_mem>>
      %dma_start3A = arith.constant 0 : i32
      %dma_start3A_23 = tpu.memref_slice %arg3[%arg0, %arg1, %dma_start3A] : memref<2x16x640xf32, #tpu.memory_space<hbm>> -> memref<1x1x640xf32, #tpu.memory_space<hbm>>
      %dma_start3A_24 = tpu.memref_squeeze %dma_start3A_23 : memref<1x1x640xf32, #tpu.memory_space<hbm>> -> memref<640xf32, #tpu.memory_space<hbm>>
      %dma_start3A_25 = arith.constant 0 : i32
      %dma_start3A_26 = tpu.memref_slice %arg3[%arg0, %arg1, %dma_start3A_25] : memref<2x16x640xf32, #tpu.memory_space<hbm>> -> memref<1x1x640xf32, #tpu.memory_space<hbm>>
      %dma_start3A_27 = tpu.memref_squeeze %dma_start3A_26 : memref<1x1x640xf32, #tpu.memory_space<hbm>> -> memref<640xf32, #tpu.memory_space<hbm>>
      tpu.enqueue_dma source(%arg7 : memref<640xf32, #tpu.memory_space<vmem>>) target(%dma_start3A_27 : memref<640xf32, #tpu.memory_space<hbm>>) target_semaphore(%run_scoped3A : memref<!tpu.dma_semaphore, #tpu.memory_space<semaphore_mem>>)
      %dma_wait3A = arith.constant 0 : i32
      %dma_wait3A_28 = tpu.memref_slice %arg3[%arg0, %arg1, %dma_wait3A] : memref<2x16x640xf32, #tpu.memory_space<hbm>> -> memref<1x1x640xf32, #tpu.memory_space<hbm>>
      %dma_wait3A_29 = tpu.memref_squeeze %dma_wait3A_28 : memref<1x1x640xf32, #tpu.memory_space<hbm>> -> memref<640xf32, #tpu.memory_space<hbm>>
      %dma_wait3A_30 = arith.constant 0 : i32
      %dma_wait3A_31 = tpu.memref_slice %arg3[%arg0, %arg1, %dma_wait3A_30] : memref<2x16x640xf32, #tpu.memory_space<hbm>> -> memref<1x1x640xf32, #tpu.memory_space<hbm>>
      %dma_wait3A_32 = tpu.memref_squeeze %dma_wait3A_31 : memref<1x1x640xf32, #tpu.memory_space<hbm>> -> memref<640xf32, #tpu.memory_space<hbm>>
      tpu.wait_dma2 semaphore(%run_scoped3A : memref<!tpu.dma_semaphore, #tpu.memory_space<semaphore_mem>>) src(%arg7 : memref<640xf32, #tpu.memory_space<vmem>>) dst(%dma_wait3A_32 : memref<640xf32, #tpu.memory_space<hbm>>)
      tpu.yield
    }) : () -> ()
    return
  }
}

module attributes {stable_mosaic.version = 14 : i64} {
  func.func @body(%arg0: i32, %arg1: memref<1000x128xf32, #tpu.memory_space<vmem>>, %arg2: memref<128x128xf32, #tpu.memory_space<vmem>>, %arg3: memref<1x128xf32, #tpu.memory_space<vmem>>, %arg4: memref<1000x128xf32, #tpu.memory_space<vmem>>) attributes {dimension_semantics = [#tpu.dimension_semantics<arbitrary>], iteration_bounds = array<i64: 10>, scalar_prefetch = 0 : i64, scratch_operands = 0 : i64, tpu.core_type = #tpu.core_type<tc>, window_params = [{transform_indices = @transform_0, window_bounds = array<i64: 1000, 128>}, {pipeline_mode = #tpu.pipeline_mode<synchronous>, transform_indices = @transform_1, window_bounds = array<i64: 128, 128>}, {pipeline_mode = #tpu.pipeline_mode<synchronous>, transform_indices = @transform_2, window_bounds = array<i64: 1, 128>}, {transform_indices = @transform_3, window_bounds = array<i64: 1000, 128>}]} {
    %get3A = arith.constant 0 : index
    %get3A_0 = arith.constant 0 : index
    %get3A_1 = vector.load %arg1[%get3A, %get3A_0] : memref<1000x128xf32, #tpu.memory_space<vmem>>, vector<1000x128xf32>
    %get3A_2 = arith.constant 0 : index
    %get3A_3 = arith.constant 0 : index
    %get3A_4 = vector.load %arg2[%get3A_2, %get3A_3] : memref<128x128xf32, #tpu.memory_space<vmem>>, vector<128x128xf32>
    %dot_general3A = arith.constant dense<0.000000e+00> : vector<1000x128xf32>
    %dot_general3A_5 = tpu.matmul %get3A_1, %get3A_4, %dot_general3A {dimension_numbers = #tpu.dot_dimension_numbers<[1], [0], [0], [1], [0, 0, 1, 1], [], []>, transpose_lhs_hint = false} : vector<1000x128xf32>, vector<128x128xf32>, vector<1000x128xf32> -> vector<1000x128xf32>
    %get3A_6 = arith.constant 0 : index
    %get3A_7 = arith.constant 0 : index
    %get3A_8 = vector.load %arg3[%get3A_6, %get3A_7] : memref<1x128xf32, #tpu.memory_space<vmem>>, vector<1x128xf32>
    %add3A = vector.broadcast %get3A_8 : vector<1x128xf32> to vector<1000x128xf32>
    %add3A_9 = arith.addf %dot_general3A_5, %add3A : vector<1000x128xf32>
    %swap3A = arith.constant 0 : index
    %swap3A_10 = arith.constant 0 : index
    %swap3A_11 = vector.load %arg4[%swap3A, %swap3A_10] : memref<1000x128xf32, #tpu.memory_space<vmem>>, vector<1000x128xf32>
    tpu.vector_store %arg4[%swap3A, %swap3A_10], %add3A_9 {strides = array<i32>} : memref<1000x128xf32, #tpu.memory_space<vmem>>, vector<1000x128xf32>,
    return
  }
  func.func @transform_0(%arg0: i32) -> (i32, i32) {
    %c0_i32 = arith.constant 0 : i32
    %c0_i32_0 = arith.constant 0 : i32
    return %arg0, %c0_i32 : i32, i32
  }
  func.func @transform_1(%arg0: i32) -> (i32, i32) {
    %c0_i32 = arith.constant 0 : i32
    %c0_i32_0 = arith.constant 0 : i32
    %c0_i32_1 = arith.constant 0 : i32
    return %c0_i32, %c0_i32_0 : i32, i32
  }
  func.func @transform_2(%arg0: i32) -> (i32, i32) {
    %c0_i32 = arith.constant 0 : i32
    %c0_i32_0 = arith.constant 0 : i32
    %c0_i32_1 = arith.constant 0 : i32
    return %c0_i32, %c0_i32_0 : i32, i32
  }
  func.func @transform_3(%arg0: i32) -> (i32, i32) {
    %c0_i32 = arith.constant 0 : i32
    %c0_i32_0 = arith.constant 0 : i32
    return %arg0, %c0_i32 : i32, i32
  }
}

module attributes {stable_mosaic.version = 14 : i64} {
  func.func @body(%arg0: i32, %arg1: memref<1000x128xf32, #tpu.memory_space<vmem>>, %arg2: memref<2x1000x128xf32, #tpu.memory_space<vmem>>, %arg3: memref<2x1000x1xf32, #tpu.memory_space<vmem>>, %arg4: memref<128x128xf32, #tpu.memory_space<vmem>>, %arg5: memref<1000x128xf32, #tpu.memory_space<vmem>>) attributes {dimension_semantics = [#tpu.dimension_semantics<arbitrary>], iteration_bounds = array<i64: 10>, scalar_prefetch = 0 : i64, scratch_operands = 0 : i64, tpu.core_type = #tpu.core_type<tc>, window_params = [{transform_indices = @transform_0, window_bounds = array<i64: 1000, 128>}, {transform_indices = @transform_1, window_bounds = array<i64: 2, 1000, 128>}, {transform_indices = @transform_2, window_bounds = array<i64: 2, 1000, 1>}, {pipeline_mode = #tpu.pipeline_mode<synchronous>, transform_indices = @transform_3, window_bounds = array<i64: 128, 128>}, {transform_indices = @transform_4, window_bounds = array<i64: 1000, 128>}]} {
    %get3A = arith.constant 0 : index
    %get3A_0 = arith.constant 0 : index
    %get3A_1 = arith.constant 0 : index
    %get3A_2 = vector.load %arg2[%get3A, %get3A_0, %get3A_1] : memref<2x1000x128xf32, #tpu.memory_space<vmem>>, vector<1x1000x128xf32>
    %get3A_3 = vector.shape_cast %get3A_2 : vector<1x1000x128xf32> to vector<1000x128xf32>
    %get3A_4 = arith.constant 1 : index
    %get3A_5 = arith.constant 0 : index
    %get3A_6 = arith.constant 0 : index
    %get3A_7 = vector.load %arg2[%get3A_4, %get3A_5, %get3A_6] : memref<2x1000x128xf32, #tpu.memory_space<vmem>>, vector<1x1000x128xf32>
    %get3A_8 = vector.shape_cast %get3A_7 : vector<1x1000x128xf32> to vector<1000x128xf32>
    %add3A = arith.addf %get3A_3, %get3A_8 : vector<1000x128xf32>
    %get3A_9 = arith.constant 0 : index
    %get3A_10 = arith.constant 0 : index
    %get3A_11 = arith.constant 0 : index
    %get3A_12 = vector.load %arg3[%get3A_9, %get3A_10, %get3A_11] : memref<2x1000x1xf32, #tpu.memory_space<vmem>>, vector<1x1000x1xf32>
    %get3A_13 = vector.shape_cast %get3A_12 : vector<1x1000x1xf32> to vector<1000x1xf32>
    %get3A_14 = arith.constant 1 : index
    %get3A_15 = arith.constant 0 : index
    %get3A_16 = arith.constant 0 : index
    %get3A_17 = vector.load %arg3[%get3A_14, %get3A_15, %get3A_16] : memref<2x1000x1xf32, #tpu.memory_space<vmem>>, vector<1x1000x1xf32>
    %get3A_18 = vector.shape_cast %get3A_17 : vector<1x1000x1xf32> to vector<1000x1xf32>
    %add3A_19 = arith.addf %get3A_13, %get3A_18 : vector<1000x1xf32>
    %max3A = arith.constant 1.000000e+00 : f32
    %max3A_20 = vector.broadcast %max3A : f32 to vector<1000x1xf32>
    %max3A_21 = arith.maximumf %add3A_19, %max3A_20 : vector<1000x1xf32>
    %div3A = vector.broadcast %max3A_21 : vector<1000x1xf32> to vector<1000x128xf32>
    %div3A_22 = arith.divf %add3A, %div3A : vector<1000x128xf32>
    %get3A_23 = arith.constant 0 : index
    %get3A_24 = arith.constant 0 : index
    %get3A_25 = vector.load %arg1[%get3A_23, %get3A_24] : memref<1000x128xf32, #tpu.memory_space<vmem>>, vector<1000x128xf32>
    %get3A_26 = arith.constant 0 : index
    %get3A_27 = arith.constant 0 : index
    %get3A_28 = vector.load %arg4[%get3A_26, %get3A_27] : memref<128x128xf32, #tpu.memory_space<vmem>>, vector<128x128xf32>
    %dot_general3A = arith.constant dense<0.000000e+00> : vector<1000x128xf32>
    %dot_general3A_29 = tpu.matmul %div3A_22, %get3A_28, %dot_general3A {dimension_numbers = #tpu.dot_dimension_numbers<[1], [0], [0], [1], [0, 0, 1, 1], [], []>, transpose_lhs_hint = false} : vector<1000x128xf32>, vector<128x128xf32>, vector<1000x128xf32> -> vector<1000x128xf32>
    %add3A_30 = arith.addf %get3A_25, %dot_general3A_29 : vector<1000x128xf32>
    %max3A_31 = arith.constant 0.000000e+00 : f32
    %max3A_32 = vector.broadcast %max3A_31 : f32 to vector<1000x128xf32>
    %max3A_33 = arith.maximumf %add3A_30, %max3A_32 : vector<1000x128xf32>
    %swap3A = arith.constant 0 : index
    %swap3A_34 = arith.constant 0 : index
    %swap3A_35 = vector.load %arg5[%swap3A, %swap3A_34] : memref<1000x128xf32, #tpu.memory_space<vmem>>, vector<1000x128xf32>
    tpu.vector_store %arg5[%swap3A, %swap3A_34], %max3A_33 {strides = array<i32>} : memref<1000x128xf32, #tpu.memory_space<vmem>>, vector<1000x128xf32>,
    return
  }
  func.func @transform_0(%arg0: i32) -> (i32, i32) {
    %c0_i32 = arith.constant 0 : i32
    %c0_i32_0 = arith.constant 0 : i32
    return %arg0, %c0_i32 : i32, i32
  }
  func.func @transform_1(%arg0: i32) -> (i32, i32, i32) {
    %c0_i32 = arith.constant 0 : i32
    %c0_i32_0 = arith.constant 0 : i32
    %c0_i32_1 = arith.constant 0 : i32
    return %c0_i32, %arg0, %c0_i32_0 : i32, i32, i32
  }
  func.func @transform_2(%arg0: i32) -> (i32, i32, i32) {
    %c0_i32 = arith.constant 0 : i32
    %c0_i32_0 = arith.constant 0 : i32
    %c0_i32_1 = arith.constant 0 : i32
    return %c0_i32, %arg0, %c0_i32_0 : i32, i32, i32
  }
  func.func @transform_3(%arg0: i32) -> (i32, i32) {
    %c0_i32 = arith.constant 0 : i32
    %c0_i32_0 = arith.constant 0 : i32
    %c0_i32_1 = arith.constant 0 : i32
    return %c0_i32, %c0_i32_0 : i32, i32
  }
  func.func @transform_4(%arg0: i32) -> (i32, i32) {
    %c0_i32 = arith.constant 0 : i32
    %c0_i32_0 = arith.constant 0 : i32
    return %arg0, %c0_i32 : i32, i32
  }
}

module attributes {stable_mosaic.version = 14 : i64} {
  func.func @body(%arg0: i32, %arg1: memref<1000x128xf32, #tpu.memory_space<vmem>>, %arg2: memref<2x1000x128xf32, #tpu.memory_space<vmem>>, %arg3: memref<2x1000x1xf32, #tpu.memory_space<vmem>>, %arg4: memref<128x128xf32, #tpu.memory_space<vmem>>, %arg5: memref<1000x128xf32, #tpu.memory_space<vmem>>) attributes {dimension_semantics = [#tpu.dimension_semantics<arbitrary>], iteration_bounds = array<i64: 10>, scalar_prefetch = 0 : i64, scratch_operands = 0 : i64, tpu.core_type = #tpu.core_type<tc>, window_params = [{transform_indices = @transform_0, window_bounds = array<i64: 1000, 128>}, {transform_indices = @transform_1, window_bounds = array<i64: 2, 1000, 128>}, {transform_indices = @transform_2, window_bounds = array<i64: 2, 1000, 1>}, {pipeline_mode = #tpu.pipeline_mode<synchronous>, transform_indices = @transform_3, window_bounds = array<i64: 128, 128>}, {transform_indices = @transform_4, window_bounds = array<i64: 1000, 128>}]} {
    %get3A = arith.constant 0 : index
    %get3A_0 = arith.constant 0 : index
    %get3A_1 = arith.constant 0 : index
    %get3A_2 = vector.load %arg2[%get3A, %get3A_0, %get3A_1] : memref<2x1000x128xf32, #tpu.memory_space<vmem>>, vector<1x1000x128xf32>
    %get3A_3 = vector.shape_cast %get3A_2 : vector<1x1000x128xf32> to vector<1000x128xf32>
    %get3A_4 = arith.constant 1 : index
    %get3A_5 = arith.constant 0 : index
    %get3A_6 = arith.constant 0 : index
    %get3A_7 = vector.load %arg2[%get3A_4, %get3A_5, %get3A_6] : memref<2x1000x128xf32, #tpu.memory_space<vmem>>, vector<1x1000x128xf32>
    %get3A_8 = vector.shape_cast %get3A_7 : vector<1x1000x128xf32> to vector<1000x128xf32>
    %add3A = arith.addf %get3A_3, %get3A_8 : vector<1000x128xf32>
    %get3A_9 = arith.constant 0 : index
    %get3A_10 = arith.constant 0 : index
    %get3A_11 = arith.constant 0 : index
    %get3A_12 = vector.load %arg3[%get3A_9, %get3A_10, %get3A_11] : memref<2x1000x1xf32, #tpu.memory_space<vmem>>, vector<1x1000x1xf32>
    %get3A_13 = vector.shape_cast %get3A_12 : vector<1x1000x1xf32> to vector<1000x1xf32>
    %get3A_14 = arith.constant 1 : index
    %get3A_15 = arith.constant 0 : index
    %get3A_16 = arith.constant 0 : index
    %get3A_17 = vector.load %arg3[%get3A_14, %get3A_15, %get3A_16] : memref<2x1000x1xf32, #tpu.memory_space<vmem>>, vector<1x1000x1xf32>
    %get3A_18 = vector.shape_cast %get3A_17 : vector<1x1000x1xf32> to vector<1000x1xf32>
    %add3A_19 = arith.addf %get3A_13, %get3A_18 : vector<1000x1xf32>
    %max3A = arith.constant 1.000000e+00 : f32
    %max3A_20 = vector.broadcast %max3A : f32 to vector<1000x1xf32>
    %max3A_21 = arith.maximumf %add3A_19, %max3A_20 : vector<1000x1xf32>
    %div3A = vector.broadcast %max3A_21 : vector<1000x1xf32> to vector<1000x128xf32>
    %div3A_22 = arith.divf %add3A, %div3A : vector<1000x128xf32>
    %get3A_23 = arith.constant 0 : index
    %get3A_24 = arith.constant 0 : index
    %get3A_25 = vector.load %arg1[%get3A_23, %get3A_24] : memref<1000x128xf32, #tpu.memory_space<vmem>>, vector<1000x128xf32>
    %get3A_26 = arith.constant 0 : index
    %get3A_27 = arith.constant 0 : index
    %get3A_28 = vector.load %arg4[%get3A_26, %get3A_27] : memref<128x128xf32, #tpu.memory_space<vmem>>, vector<128x128xf32>
    %dot_general3A = arith.constant dense<0.000000e+00> : vector<1000x128xf32>
    %dot_general3A_29 = tpu.matmul %div3A_22, %get3A_28, %dot_general3A {dimension_numbers = #tpu.dot_dimension_numbers<[1], [0], [0], [1], [0, 0, 1, 1], [], []>, transpose_lhs_hint = false} : vector<1000x128xf32>, vector<128x128xf32>, vector<1000x128xf32> -> vector<1000x128xf32>
    %add3A_30 = arith.addf %get3A_25, %dot_general3A_29 : vector<1000x128xf32>
    %swap3A = arith.constant 0 : index
    %swap3A_31 = arith.constant 0 : index
    %swap3A_32 = vector.load %arg5[%swap3A, %swap3A_31] : memref<1000x128xf32, #tpu.memory_space<vmem>>, vector<1000x128xf32>
    tpu.vector_store %arg5[%swap3A, %swap3A_31], %add3A_30 {strides = array<i32>} : memref<1000x128xf32, #tpu.memory_space<vmem>>, vector<1000x128xf32>,
    return
  }
  func.func @transform_0(%arg0: i32) -> (i32, i32) {
    %c0_i32 = arith.constant 0 : i32
    %c0_i32_0 = arith.constant 0 : i32
    return %arg0, %c0_i32 : i32, i32
  }
  func.func @transform_1(%arg0: i32) -> (i32, i32, i32) {
    %c0_i32 = arith.constant 0 : i32
    %c0_i32_0 = arith.constant 0 : i32
    %c0_i32_1 = arith.constant 0 : i32
    return %c0_i32, %arg0, %c0_i32_0 : i32, i32, i32
  }
  func.func @transform_2(%arg0: i32) -> (i32, i32, i32) {
    %c0_i32 = arith.constant 0 : i32
    %c0_i32_0 = arith.constant 0 : i32
    %c0_i32_1 = arith.constant 0 : i32
    return %c0_i32, %arg0, %c0_i32_0 : i32, i32, i32
  }
  func.func @transform_3(%arg0: i32) -> (i32, i32) {
    %c0_i32 = arith.constant 0 : i32
    %c0_i32_0 = arith.constant 0 : i32
    %c0_i32_1 = arith.constant 0 : i32
    return %c0_i32, %c0_i32_0 : i32, i32
  }
  func.func @transform_4(%arg0: i32) -> (i32, i32) {
    %c0_i32 = arith.constant 0 : i32
    %c0_i32_0 = arith.constant 0 : i32
    return %arg0, %c0_i32 : i32, i32
  }
}

</mosaic_0001>

<sc_bundles>
// kernel: kernel.12.cloned.1.call-start
scs
__scs_entry_jumppad:
0x0: {  	(pc) =	sbr.rel $0x88, $3  }
0x1: {  	(tag) =	ssettag $0x0;
	lr =	simm.s32 $0x1  }
0x2: {  	[smem:$0x3F99] =	sst lr;
	_ =	strace $0xD0000000  }
0x3: {  	_ = 	snop  }
0x4: {  	_ = 	snop  }
0x5: {  	_ = 	snop  }
0x6: {  	_ = 	snop  }
0x7: {  	_ = 	snop  }
__scs_overlays_trampoline_lowered:
0x8: {  	[smem:$0x3FA8] =	sst s0  }
0x9: {  	[smem:$0x3FA9] =	sst s1  }
0xa: {  	[smem:$0x3FAA] =	sst s2  }
0xb: {  	[smem:$0x3FAB] =	sst s3  }
0xc: {  	[smem:$0x3FAC] =	sst s4  }
0xd: {  	[smem:$0x3FAD] =	sst s5  }
0xe: {  	[smem:$0x3FAE] =	sst s6  }
0xf: {  	[smem:$0x3FAF] =	sst s7  }
0x10: {  	[smem:$0x3FB0] =	sst s8  }
0x11: {  	[smem:$0x3FB1] =	sst s9;
	s0 =	simm.s32 @!p0 $0x0  }
0x12: {  	s1 =	sld [smem:$0x3F97];
	s0 =	simm.s32 @p0 $0x1  }
0x13: {  	[smem:$0x3FB2] =	sst s0;
	s0 =	simm.s32 @!p1 $0x0  }
0x14: {  	s2 =	sld [smem:$0x3F96];
	s0 =	simm.s32 @p1 $0x1  }
0x15: {  	[smem:$0x3FB3] =	sst s0;
	s0 =	simm.s32 @!p2 $0x0  }
0x16: {  	s3 =	sld [smem:$0x3FDB];
	s0 =	simm.s32 @p2 $0x1  }
0x17: {  	s4 =	simm.s32 $0x1BF5;
	[smem:$0x3FB5] =	sst s0  }
0x18: {  	s0 =	sld [smem:$0x3F98];
	_ =	swait.ge [sflag:s4], $0x0  }
0x19: {  	s7 =	sld [smem:$0x3F99]  }
0x1a: {  	s8 =	sadd.s32 $0xFFFFE003, lr  }
0x1b: {  	s9 =	sadd.s32 $0xFFFFFEF7, lr;
	s5 =	simm.s32 $0xFFFFFFFF;
	p2 =	slt.u32 s8, $0xFFFFF086  }
0x1c: {  	p1 =	slt.u32 s9, $0xF7A;
	s5 =	simm.s32 @!p2 $0x0  }
0x1d: {  	s5 =	simm.s32 @p1 $0x1;
	p0 =	seq.s32 s7, s2  }
0x1e: {  	s7 =	smul.u32 @!p0 $0xF7A, s2;
	p2 =	seq.s32 @!p0 s5, $0x0  }
0x1f: {  	s9 =	smul.u32 $0xF7A, s1;
	s8 =	simm.s32 @!p0 $0x1BF5;
	p2 =	por !p2, p0  }
0x20: {  	[sflag:s8] =	ssyncset.s32 @!p0 $0xFFFFF086;
	s6 =	sadd.s32 @!p0 s3, s7;
	s7 =	simm.s32 @!p0 $0x108  }
0x21: {  	s3 =	sadd.s32 s3, s9;
	s6 =	sadd.s32 @!p0 $0x88, s6;
	s7 =	simm.s32 @p2 $0x1082  }
0x22: {  	[simem:s7], [sflag:s8] =	dma.local @!p0 [hbm:s6], $0xF7A  }
0x23: {  	s9 =	sor.u32 $0xD0000000, s2;
	s6 =	simm.s32 $0x108;
	_ =	swait.ge @!p0 [sflag:s8], $0x0  }
0x24: {  	s3 =	sadd.s32 $0x88, s3;
	s6 =	simm.s32 @!p1 $0x1082;
	[sflag:s4] =	ssyncset.s32 $0xFFFFF086  }
0x25: {  	[simem:s6], [sflag:s4] =	dma.local [hbm:s3], $0xF7A  }
0x26: {  	[smem:$0x3F99] =	sst s1;
	(tag) =	ssettag s2;
	_ =	strace s9  }
0x27: {  	s1 =	sld [smem:$0x3FA9]  }
0x28: {  	s2 =	sld [smem:$0x3FAA]  }
0x29: {  	s4 =	sld [smem:$0x3FAC]  }
0x2a: {  	p0 =	seq.s32 s5, $0x0;
	s5 =	sld [smem:$0x3FAD]  }
0x2b: {  	s6 =	sld [smem:$0x3FAE]  }
0x2c: {  	s7 =	sld [smem:$0x3FAF]  }
0x2d: {  	s3 =	simm.s32 $0x108;
	s8 =	sld [smem:$0x3FB0]  }
0x2e: {  	s3 =	simm.s32 @!p0 $0x1082;
	s9 =	sld [smem:$0x3FB1]  }
0x2f: {  	lr =	sadd.s32 s0, s3;
	s0 =	sld [smem:$0x3FA8]  }
0x30: {  	s3 =	sld [smem:$0x3FAB]  }
0x31: {  	[smem:$0x3FB4] =	sst s10  }
0x32: {  	s10 =	sld [smem:$0x3FB2];
	_ =	sdelay $0x3  }
0x33: {  	p0 =	seq.s32 s10, $0x1;
	s10 =	sld [smem:$0x3FB4];
	_ =	sdelay $0x3  }
0x34: {  	[smem:$0x3FB4] =	sst s10  }
0x35: {  	s10 =	sld [smem:$0x3FB3];
	_ =	sdelay $0x3  }
0x36: {  	p1 =	seq.s32 s10, $0x1;
	s10 =	sld [smem:$0x3FB4];
	_ =	sdelay $0x3  }
0x37: {  	[smem:$0x3FB4] =	sst s10  }
0x38: {  	s10 =	sld [smem:$0x3FB5]  }
0x39: {  	_ = 	snop;
	(pc) =	sbr.ind lr, $3  }
0x3a: {  	_ = 	snop  }
0x3b: {  	_ = 	snop  }
0x3c: {  	p2 =	seq.s32 s10, $0x1;
	s10 =	sld [smem:$0x3FB4]  }
0x3d: {  	_ =	shalt  }
0x3e: {  	_ =	shalt  }
0x3f: {  	_ =	shalt  }
0x40: {  	_ =	shalt  }
0x41: {  	_ =	shalt  }
0x42: {  	_ =	shalt  }
0x43: {  	_ =	shalt  }
0x44: {  	_ =	shalt  }
0x45: {  	_ =	shalt  }
0x46: {  	_ =	shalt  }
0x47: {  	_ =	shalt  }
0x48: {  	_ =	shalt  }
0x49: {  	_ =	shalt  }
0x4a: {  	_ =	shalt  }
0x4b: {  	_ =	shalt  }
0x4c: {  	_ =	shalt  }
0x4d: {  	_ =	shalt  }
0x4e: {  	_ =	shalt  }
0x4f: {  	_ =	shalt  }
0x50: {  	_ =	shalt  }
0x51: {  	_ =	shalt  }
0x52: {  	_ =	shalt  }
0x53: {  	_ =	shalt  }
0x54: {  	_ =	shalt  }
0x55: {  	_ =	shalt  }
0x56: {  	_ =	shalt  }
0x57: {  	_ =	shalt  }
0x58: {  	_ =	shalt  }
0x59: {  	_ =	shalt  }
0x5a: {  	_ =	shalt  }
0x5b: {  	_ =	shalt  }
0x5c: {  	_ =	shalt  }
0x5d: {  	_ =	shalt  }
0x5e: {  	_ =	shalt  }
0x5f: {  	_ =	shalt  }
0x60: {  	_ =	shalt  }
0x61: {  	_ =	shalt  }
0x62: {  	_ =	shalt  }
0x63: {  	_ =	shalt  }
0x64: {  	_ =	shalt  }
0x65: {  	_ =	shalt  }
0x66: {  	_ =	shalt  }
0x67: {  	_ =	shalt  }
0x68: {  	_ =	shalt  }
0x69: {  	_ =	shalt  }
0x6a: {  	_ =	shalt  }
0x6b: {  	_ =	shalt  }
0x6c: {  	_ =	shalt  }
0x6d: {  	_ =	shalt  }
0x6e: {  	_ =	shalt  }
0x6f: {  	_ =	shalt  }
0x70: {  	_ =	shalt  }
0x71: {  	_ =	shalt  }
0x72: {  	_ =	shalt  }
0x73: {  	_ =	shalt  }
0x74: {  	_ =	shalt  }
0x75: {  	_ =	shalt  }
0x76: {  	_ =	shalt  }
0x77: {  	_ =	shalt  }
0x78: {  	_ =	shalt  }
0x79: {  	_ =	shalt  }
0x7a: {  	_ =	shalt  }
0x7b: {  	_ =	shalt  }
0x7c: {  	_ =	shalt  }
0x7d: {  	_ =	shalt  }
0x7e: {  	_ =	shalt  }
0x7f: {  	_ =	shalt  }
0x80: {  	_ =	shalt  }
0x81: {  	_ =	shalt  }
0x82: {  	_ =	shalt  }
0x83: {  	_ =	shalt  }
0x84: {  	_ =	shalt  }
0x85: {  	_ =	shalt  }
0x86: {  	_ =	shalt  }
0x87: {  	_ =	shalt  }
.Lfunc_end0:
.L_simem_size_0:
called_computation.1_lowered:
.L_overlay_start_0:
0x88: {  	s2 =	sld [smem:$0x3FD9]  }
0x89: {  	s3 =	sld [smem:$0x3FFE];
	_ =	sdelay $0x1  }
0x8a: {  	s1 =	srdreg.scid  }
0x8b: {  	s0 =	sand.u32 $0x1, s1  }
0x8c: {  	s17 =	sshll.u32 s0, $0xA;
	s2 =	sadd.s32 s3, s2  }
0x8d: {  	s2 =	sadd.s32 s2, s17  }
0x8e: {  	[smem:$0x3FC0] =	sst s2  }
0x8f: {  	_ = 	snop  }
0x90: {  	s18 =	sld [smem:$0x3FC9];
	(tm) =	ssettm $0x1  }
0x91: {  	s19 =	sld [smem:$0x3FFB];
	_ =	sdelay $0x3  }
0x92: {  	_ =	strace s19  }
0x93: {  	s2 =	sld [smem:$0x3FFC];
	_ =	sdelay $0x3  }
0x94: {  	_ =	strace s2  }
0x95: {  	s2 =	sld [smem:$0x3FFD];
	_ =	sdelay $0x3  }
0x96: {  	_ =	strace s2  }
0x97: {  	_ =	strace $0x8FFFFFFF  }
0x98: {  	s20 =	sld [smem:$0x3FDB];
	_ =	sdelay $0x1  }
0x99: {  	s4 =	simm.s32 $_scs_section_size  }
0x9a: {  	s5 =	simm.s32 $_size__tile_overlayer_lowered;
	s6 =	simm.s32 $_tile_overlayer_lowered  }
0x9b: {  	s7 =	simm.s32 $0x1BFF;
	s21 =	sshll.u32 s6, $0x1;
	s4 =	sadd.s32 s4, s20  }
0x9c: {  	s22 =	simm.s32 $0x0;
	s5 =	sshll.u32 s5, $0x1;
	s6 =	sadd.s32 s21, s4  }
0x9d: {  	[timem:s22], [sflag:s7] =	dma.local [hbm:s6], s5  }
0x9e: {  	_ =	swait.ge [sflag:s7], s5  }
0x9f: {  	s5 =	ssub.s32 $0x0, s5;
	[sflag:s7] =	ssyncset.done $0x0  }
0xa0: {  	[sflag:s7] =	ssyncadd.s32 s5;
	_ =	sdelay $0x1  }
0xa1: {  	s23 =	simm.s32 $0x1B8B  }
0xa2: {  	_ =	swait.ge [sflag:s23], $0x1  }
0xa3: {  	[sflag:s23] =	ssyncset.done $0x0  }
0xa4: {  	[sflag:s23] =	ssyncadd.s32 $0xFFFFFFFF  }
0xa5: {  	s5 =	sld [smem:$0x0]  }
0xa6: {  	s6 =	sand.u32 $0xFFFFFFFE, s1  }
0xa7: {  	p0 =	sne.s32 s1, s6  }
0xa8: {  	s6 =	sshll.u32 @p0 s6, $0xE  }
0xa9: {  	s6 =	sadd.s32 @p0 $0x11B8D, s6;
	s7 =	sshll.u32 @p0 s5, $0x11  }
0xaa: {  	s6 =	sor.u32 @p0 s7, s6  }
0xab: {  	[sflag:s6] =	ssyncadd.remote.s32 @p0 $0x1;
	_ =	sdelay $0x1  }
0xac: {  	s6 =	simm.s32 @p0 $0x1B8D  }
0xad: {  	_ =	swait.eq @p0 [sflag:s6], $0x1  }
0xae: {  	[sflag:s6] =	ssyncadd.s32 @p0 $0xFFFFFFFF  }
0xaf: {  	s7 =	sshll.u32 @!p0 s1, $0xE  }
0xb0: {  	s7 =	sor.u32 @!p0 $0x4000, s7;
	s6 =	simm.s32 @!p0 $0x1B8D  }
0xb1: {  	s5 =	sshll.u32 @!p0 s5, $0x11;
	s7 =	sadd.s32 @!p0 $0x11B8D, s7;
	_ =	swait.eq @!p0 [sflag:s6], $0x1  }
0xb2: {  	s5 =	sor.u32 @!p0 s5, s7;
	[sflag:s6] =	ssyncadd.s32 @!p0 $0xFFFFFFFF  }
0xb3: {  	s25 =	simm.s32 $0x1B8E;
	s24 =	sld [smem:$0x3FFE];
	[sflag:s5] =	ssyncadd.remote.s32 @!p0 $0x1  }
0xb4: {  	s26 =	simm.s32 $execute0_lowered;
	[smem:$0x3FD2] =	sst s25  }
0xb5: {  	s6 =	sshll.u32 s26, $0x1;
	_ =	strace $0x80000049;
	[dreg:$0x1] =	wrdreg $0xFFFFFFFF  }
0xb6: {  	s28 =	simm.s32 $_size_execute0_lowered;
	s4 =	sadd.s32 s4, s6;
	[dreg:$0x0] =	wrdreg $0x0  }
0xb7: {  	s6 =	sshll.u32 s28, $0x1;
	[dreg:$0x2] =	wrdreg s4  }
0xb8: {  	[dreg:$0x3] =	wrdreg s6  }
0xb9: {  	[dreg:$0x4] =	wrdreg $0xC0  }
0xba: {  	_ =	task [dreg:s22], $0x5FFFF  }
0xbb: {  	[dreg:$0x1] =	wrdreg $0xFFFFFFFF  }
0xbc: {  	[dreg:$0x0] =	wrdreg $0x60  }
0xbd: {  	[dreg:$0x2] =	wrdreg s18  }
0xbe: {  	[dreg:$0x3] =	wrdreg s24  }
0xbf: {  	[dreg:$0x4] =	wrdreg $0x90000  }
0xc0: {  	[dreg:$0x5] =	wrdreg $0xA  }
0xc1: {  	_ =	task.clear_ibuf [dreg:s22], $0x6FFFF;
	_ =	strace $0x90000049  }
0xc2: {  	s29 =	simm.s32 $0xA;
	_ =	strace $0x8000004B  }
0xc3: {  	_ =	swait.ge [sflag:s29], $0x1  }
0xc4: {  	[sflag:s29] =	ssyncadd.s32 $0xFFFFFFFF  }
0xc5: {  	_ =	strace $0x9000004B  }
0xc6: {  	_ =	sfence  }
0xc7: {  	s30 =	sld [smem:$0x0];
	_ =	sdelay $0x2  }
0xc8: {  	s31 =	sshll.u32 s1, $0xD;
	s1 =	sshrl.u32 s1, $0x2  }
0xc9: {  	s4 =	sand.u32 $0x4000, s31;
	s1 =	sadd.s32 s1, s30  }
0xca: {  	s0 =	sor.u32 s4, s0;
	s1 =	sshll.u32 s1, $0x11  }
0xcb: {  	s0 =	sor.u32 s1, s0  }
0xcc: {  	s0 =	sadd.s32 $0x8F2B, s0  }
0xcd: {  	[sflag:s0] =	ssyncadd.remote.s32 $0x1  }
0xce: {  	_ =	sfence.sel $0xFFFF  }
0xcf: {  	[dreg:$0x0] =	wrdreg $0xFFFFFFFF;
	(pc) =	sbr.abs _section_cstart, $3  }
0xd0: {  	[dreg:$0x1] =	wrdreg $0xFFFFFFFF  }
0xd1: {  	_ =	task.clear_ibuf [dreg:s22], $0x2FFFF;
	_ =	strace $0x9FFFFFFF  }
0xd2: {  	(tm) =	ssettm $0x7FFFFFFF  }
0xd3: {  	_ =	shalt  }
tec
execute0_lowered:
.L_overlay_start_1:
0x0: {  	(tag) =	ssettag $0x1  }
0x1: {  	s1 =	rddreg [dreg:$0x0]  }
0x2: {  	s5 =	rddreg [dreg:$0x1]  }
0x3: {  	s3 =	rddreg [dreg:$0x2];
	s4 =	srdreg.scid  }
0x4: {  	s0 =	rddreg [dreg:$0x3];
	s2 =	stileid.u32  }
0x5: {  	s14 =	simm.s32 $0x2;
	s15 =	simm.s32 $0x2800;
	s16 =	simm.s32 $0x5000  }
0x6: {  	s17 =	simm.s32 $0x7D;
	s18 =	simm.s32 $0x1;
	s21 =	simm.s32 $0x0  }
0x7: {  	s6 =	sand.u32 $0x1, s4;
	s4 =	simm.s32 $0x0;
	s9 =	smul.u32 $0x13C00, s2  }
0x8: {  	s7 =	sshll.u32 s2, $0x1;
	s30 =	smul.u32 $0x4E200, s2;
	s19 =	sshll.u32 s2, $0x6  }
0x9: {  	s8 =	smul.u32 $0x13C000, s6;
	[smem:$0x7FF] =	sst s4;
	s7 =	sor.u32 s6, s7  }
0xa: {  	s6 =	ssub.s32 $0x2, s6;
	s19 =	sor.u32 $0x1C02, s19;
	_ =	strace $0x8000004A  }
0xb: {  	s7 =	smul.u32 $0x500, s7;
	s10 =	sshrl.u32 s6, $0x1;
	s8 =	sadd.s32 s9, s8  }
0xc: {  	s31 =	sshrl.u32 s30, $0x2;
	s13 =	ssub.s32 s6, s10;
	s8 =	sshrl.u32 s8, $0x3  }
0xd: {  	s7 =	sadd.s32 s7, s5;
	s13 =	smax.u32 s13, $0x1;
	s12 =	sadd.s32 s8, s5  }
0xe: {  	s5 =	sadd.s32 $0xC600, s7;
	s6 =	sadd.s32 $0x2600, s7;
	s7 =	sadd.s32 s31, s3  }
0xf: {  	s8 =	sadd.s32 $0x3E80, s7;
	s9 =	sadd.s32 $0x7D00, s7;
	s10 =	sadd.s32 $0xBB80, s7  }
0x10: {  	v0 =	vimm.f32 $0.0e+00;
	s11 =	sadd.s32 $0xFA00, s7;
	s12 =	sadd.s32 $0x16600, s12;
	s20 =	sshrl.u32 s7, $0x3  }
.LBB2_1:
0x11: {  	[tilespmem:s4], [sflag:$0x2] =	stream.linear.gather [hbm4b:s5+s4], $0x2800, $0x38;
	[tilespmem:$0x1C880] =	vst v63  }
0x12: {  	_ =	swait.ge [sflag:s14], $0x2800  }
0x13: {  	[sflag:s14] =	ssyncset.done $0x0  }
0x14: {  	[sflag:s14] =	ssyncadd.s32 $0xFFFFD800  }
0x15: {  	[tilespmem:s15], [sflag:$0x2] =	stream.linear.gather [hbm4b:s6+s4], $0x2800, $0x38;
	[tilespmem:$0x1C880] =	vst v63  }
0x16: {  	_ =	swait.ge [sflag:s14], $0x2800  }
0x17: {  	[sflag:s14] =	ssyncset.done $0x0  }
0x18: {  	s22 =	simm.s32 $0x0;
	s23 =	simm.s32 $0x200;
	[sflag:s14] =	ssyncadd.s32 $0xFFFFD800  }
.LBB2_2:
0x19: {  	p0 =	sne.s32 s23, $0xF800;
	[tilespmem:s22+$0x5070] =	vst v0  }
0x1a: {  	[tilespmem:s22+$0x5000] =	vst v0  }
0x1b: {  	[tilespmem:s22+$0x5010] =	vst v0  }
.Ltmp0:
0x1c: {  	[tilespmem:s22+$0x5020] =	vst v0;
	(pc) =	sbr.rel @p0 .LBB2_2-.Ltmp0, $4  }
0x1d: {  	[tilespmem:s22+$0x5030] =	vst v0  }
0x1e: {  	[tilespmem:s22+$0x5040] =	vst v0  }
0x1f: {  	[tilespmem:s22+$0x5050] =	vst v0  }
0x20: {  	[tilespmem:s22+$0x5060] =	vst v0;
	s22 =	sshra.s32 s23, $0x2;
	s23 =	sadd.s32 $0x200, s23  }
0x21: {  	[tilespmem:s22+$0x5070] =	vst v0  }
0x22: {  	[tilespmem:s22+$0x5000] =	vst v0  }
0x23: {  	[tilespmem:s22+$0x5010] =	vst v0  }
0x24: {  	[tilespmem:s22+$0x5020] =	vst v0  }
0x25: {  	[tilespmem:s22+$0x5030] =	vst v0  }
0x26: {  	[tilespmem:s22+$0x5040] =	vst v0  }
0x27: {  	[tilespmem:s22+$0x5050] =	vst v0  }
0x28: {  	[tilespmem:s22+$0x5060] =	vst v0  }
0x29: {  	[spmem:s7] =	stream.linear.scatter [tilespmem:s16], [sflag:$0x2], $0x3E80, $0x38;
	[tilespmem:$0x1C880] =	vst v63  }
0x2a: {  	_ =	swait.ge [sflag:s14], $0x3E80  }
0x2b: {  	[sflag:s14] =	ssyncset.done $0x0  }
0x2c: {  	[sflag:s14] =	ssyncadd.s32 $0xFFFFC180  }
0x2d: {  	[spmem:s8] =	stream.linear.scatter [tilespmem:s16], [sflag:$0x2], $0x3E80, $0x38;
	[tilespmem:$0x1C880] =	vst v63  }
0x2e: {  	_ =	swait.ge [sflag:s14], $0x3E80  }
0x2f: {  	[sflag:s14] =	ssyncset.done $0x0  }
0x30: {  	[sflag:s14] =	ssyncadd.s32 $0xFFFFC180  }
0x31: {  	[spmem:s9] =	stream.linear.scatter [tilespmem:s16], [sflag:$0x2], $0x3E80, $0x38;
	[tilespmem:$0x1C880] =	vst v63  }
0x32: {  	_ =	swait.ge [sflag:s14], $0x3E80  }
0x33: {  	[sflag:s14] =	ssyncset.done $0x0  }
0x34: {  	[sflag:s14] =	ssyncadd.s32 $0xFFFFC180  }
0x35: {  	[spmem:s10] =	stream.linear.scatter [tilespmem:s16], [sflag:$0x2], $0x3E80, $0x38;
	[tilespmem:$0x1C880] =	vst v63  }
0x36: {  	_ =	swait.ge [sflag:s14], $0x3E80  }
0x37: {  	[sflag:s14] =	ssyncset.done $0x0  }
0x38: {  	[sflag:s14] =	ssyncadd.s32 $0xFFFFC180  }
0x39: {  	[spmem:s11] =	stream.linear.scatter [tilespmem:s16], [sflag:$0x2], $0x3E80, $0x38;
	[tilespmem:$0x1C880] =	vst v63  }
0x3a: {  	_ =	swait.ge [sflag:s14], $0x3E80  }
0x3b: {  	[sflag:s14] =	ssyncset.done $0x0  }
0x3c: {  	[sflag:s14] =	ssyncadd.s32 $0xFFFFC180  }
0x3d: {  	s30 =	simm.s32 $0x0;
	[bflag:$0x0] =	sbarrier.arrive $0xFFFF  }
0x3e: {  	[tilespmem:s16], [sflag:$0x1] =	stream.indirect.gather [hbm4b:s1+s17], $0x80, s30, s17, $0xb8;
	[tilespmem:$0x1C880] =	vst v63  }
0x3f: {  	_ =	swait.ge [sflag:s18], $0x3E80  }
0x40: {  	[sflag:s18] =	ssyncset.done $0x0  }
0x41: {  	s31 =	simm.s32 $0x2800;
	[sflag:s18] =	ssyncadd.s32 $0xFFFFC180  }
0x42: {  	[spmem:s3] =	stream.indirect.scatter.add.f32 [tilespmem:s16], [sflag:$0x2], $0x80, s31, s17, $0xb8;
	[tilespmem:$0x1C880] =	vst v63  }
0x43: {  	_ =	swait.ge [sflag:s14], $0x3E80  }
0x44: {  	s22 =	simm.s32 $0x200;
	s23 =	simm.s32 $0x400;
	[sflag:s14] =	ssyncset.done $0x0  }
.LBB2_4:
0x45: {  	s24 =	sshra.s32 s22, $0x2  }
0x46: {  	[sflag:s14] =	ssyncadd.s32 $0xFFFFC180;
	s22 =	smov.u32 s23;
	s25 =	sadd.s32 $0x200, s23  }
0x47: {  	[tilespmem:s16], [sflag:$0x1] =	stream.indirect.gather [hbm4b:s1+s17], $0x80, s24, s17, $0xb8;
	[tilespmem:$0x1C880] =	vst v63  }
0x48: {  	p0 =	sne.s32 s23, $0x9E00;
	_ =	swait.ge [sflag:s18], $0x3E80  }
.Ltmp1:
0x49: {  	[sflag:s18] =	ssyncset.done $0x0;
	(pc) =	sbr.rel @p0 .LBB2_4-.Ltmp1, $4  }
0x4a: {  	s23 =	sadd.s32 $0x2800, s24;
	[sflag:s18] =	ssyncadd.s32 $0xFFFFC180  }
0x4b: {  	[spmem:s3] =	stream.indirect.scatter.add.f32 [tilespmem:s16], [sflag:$0x2], $0x80, s23, s17, $0xb8;
	[tilespmem:$0x1C880] =	vst v63  }
0x4c: {  	_ =	swait.ge [sflag:s14], $0x3E80  }
0x4d: {  	s23 =	smov.u32 s25;
	[sflag:s14] =	ssyncset.done $0x0  }
0x4e: {  	s22 =	sshra.s32 s22, $0x2;
	[sflag:s14] =	ssyncadd.s32 $0xFFFFC180  }
0x4f: {  	[tilespmem:s16], [sflag:$0x1] =	stream.indirect.gather [hbm4b:s1+s17], $0x80, s22, s17, $0xb8;
	[tilespmem:$0x1C880] =	vst v63  }
0x50: {  	_ =	swait.ge [sflag:s18], $0x3E80  }
0x51: {  	[sflag:s18] =	ssyncset.done $0x0  }
0x52: {  	s22 =	sadd.s32 $0x2800, s22;
	[sflag:s18] =	ssyncadd.s32 $0xFFFFC180  }
0x53: {  	[spmem:s3] =	stream.indirect.scatter.add.f32 [tilespmem:s16], [sflag:$0x2], $0x80, s22, s17, $0xb8;
	[tilespmem:$0x1C880] =	vst v63  }
0x54: {  	_ =	swait.ge [sflag:s14], $0x3E80  }
0x55: {  	s21 =	sadd.s32 $0x1, s21;
	[sflag:s14] =	ssyncset.done $0x0  }
0x56: {  	p0 =	sne.s32 s21, s13;
	[sflag:s14] =	ssyncadd.s32 $0xFFFFC180  }
.Ltmp2:
0x57: {  	[bflag:$0x0] =	sbarrier.arrive $0xFFFF;
	(pc) =	sbr.rel @p0 .LBB2_1-.Ltmp2, $4  }
0x58: {  	[hbm:s12], [sflag:s19] =	dma.local [spmem:s20], $0x2710  }
0x59: {  	_ =	swait.ge [sflag:s14], $0x2710  }
0x5a: {  	[sflag:s14] =	ssyncset.done $0x0  }
0x5b: {  	[sflag:s14] =	ssyncadd.s32 $0xFFFFD8F0  }
0x5c: {  	_ =	sfence.sel $0x180000  }
0x5d: {  	[bflag:$0x0] =	sbarrier.arrive $0xFFFF  }
0x5e: {  	p0 =	sne.s32 s2, $0x0;
	_ =	strace $0x9000004A  }
0x5f: {  	s0 =	sadd.s32 @!p0 $0x100000, s0;
	[bflag:$0x2] =	sbarrier.arrive $0xFFFF  }
0x60: {  	[sflag:s0] =	ssyncadd.tile.s32 @!p0 $0x1;
	_ =	shalt  }
.Lfunc_end2:
_tile_overlayer_lowered:
.L_overlay_start_2:
0x61: {  	(tag) =	ssettag $0x2  }
0x62: {  	s0 =	rddreg [dreg:$0x0];
	s2 =	stileid.u32  }
0x63: {  	s1 =	rddreg [dreg:$0x1];
	p0 =	sne.s32 s2, $0x0  }
0x64: {  	s3 =	rddreg [dreg:$0x2];
	[bflag:$0x3] =	sbarrier.arrive $0xFFFF;
	s2 =	simm.s32 @!p0 $0x1C02  }
0x65: {  	[timem:s3], [sflag:s2] =	dma.local @!p0 [hbm:s0], s1  }
0x66: {  	s0 =	simm.s32 @!p0 $0x2  }
0x67: {  	_ =	swait.ge @!p0 [sflag:s0], s1  }
0x68: {  	s1 =	ssub.s32 @!p0 $0x0, s1;
	[sflag:s0] =	ssyncset.done @!p0 $0x0  }
0x69: {  	[sflag:s0] =	ssyncadd.s32 @!p0 s1  }
0x6a: {  	[bflag:$0x3] =	sbarrier.arrive $0xFFFF  }
0x6b: {  	_ =	shalt  }

// kernel: kernel.15.cloned.1.call-start
scs
__scs_entry_jumppad:
0x0: {  	(pc) =	sbr.rel $0x88, $3  }
0x1: {  	(tag) =	ssettag $0x0;
	lr =	simm.s32 $0x1  }
0x2: {  	[smem:$0x3F99] =	sst lr;
	_ =	strace $0xD0000000  }
0x3: {  	_ = 	snop  }
0x4: {  	_ = 	snop  }
0x5: {  	_ = 	snop  }
0x6: {  	_ = 	snop  }
0x7: {  	_ = 	snop  }
__scs_overlays_trampoline_lowered:
0x8: {  	[smem:$0x3FA8] =	sst s0  }
0x9: {  	[smem:$0x3FA9] =	sst s1  }
0xa: {  	[smem:$0x3FAA] =	sst s2  }
0xb: {  	[smem:$0x3FAB] =	sst s3  }
0xc: {  	[smem:$0x3FAC] =	sst s4  }
0xd: {  	[smem:$0x3FAD] =	sst s5  }
0xe: {  	[smem:$0x3FAE] =	sst s6  }
0xf: {  	[smem:$0x3FAF] =	sst s7  }
0x10: {  	[smem:$0x3FB0] =	sst s8  }
0x11: {  	[smem:$0x3FB1] =	sst s9;
	s0 =	simm.s32 @!p0 $0x0  }
0x12: {  	s1 =	sld [smem:$0x3F97];
	s0 =	simm.s32 @p0 $0x1  }
0x13: {  	[smem:$0x3FB2] =	sst s0;
	s0 =	simm.s32 @!p1 $0x0  }
0x14: {  	s2 =	sld [smem:$0x3F96];
	s0 =	simm.s32 @p1 $0x1  }
0x15: {  	[smem:$0x3FB3] =	sst s0;
	s0 =	simm.s32 @!p2 $0x0  }
0x16: {  	s3 =	sld [smem:$0x3FDB];
	s0 =	simm.s32 @p2 $0x1  }
0x17: {  	s4 =	simm.s32 $0x1BF5;
	[smem:$0x3FB5] =	sst s0  }
0x18: {  	s0 =	sld [smem:$0x3F98];
	_ =	swait.ge [sflag:s4], $0x0  }
0x19: {  	s7 =	sld [smem:$0x3F99]  }
0x1a: {  	s8 =	sadd.s32 $0xFFFFE003, lr  }
0x1b: {  	s9 =	sadd.s32 $0xFFFFFEF7, lr;
	s5 =	simm.s32 $0xFFFFFFFF;
	p2 =	slt.u32 s8, $0xFFFFF086  }
0x1c: {  	p1 =	slt.u32 s9, $0xF7A;
	s5 =	simm.s32 @!p2 $0x0  }
0x1d: {  	s5 =	simm.s32 @p1 $0x1;
	p0 =	seq.s32 s7, s2  }
0x1e: {  	s7 =	smul.u32 @!p0 $0xF7A, s2;
	p2 =	seq.s32 @!p0 s5, $0x0  }
0x1f: {  	s9 =	smul.u32 $0xF7A, s1;
	s8 =	simm.s32 @!p0 $0x1BF5;
	p2 =	por !p2, p0  }
0x20: {  	[sflag:s8] =	ssyncset.s32 @!p0 $0xFFFFF086;
	s6 =	sadd.s32 @!p0 s3, s7;
	s7 =	simm.s32 @!p0 $0x108  }
0x21: {  	s3 =	sadd.s32 s3, s9;
	s6 =	sadd.s32 @!p0 $0x88, s6;
	s7 =	simm.s32 @p2 $0x1082  }
0x22: {  	[simem:s7], [sflag:s8] =	dma.local @!p0 [hbm:s6], $0xF7A  }
0x23: {  	s9 =	sor.u32 $0xD0000000, s2;
	s6 =	simm.s32 $0x108;
	_ =	swait.ge @!p0 [sflag:s8], $0x0  }
0x24: {  	s3 =	sadd.s32 $0x88, s3;
	s6 =	simm.s32 @!p1 $0x1082;
	[sflag:s4] =	ssyncset.s32 $0xFFFFF086  }
0x25: {  	[simem:s6], [sflag:s4] =	dma.local [hbm:s3], $0xF7A  }
0x26: {  	[smem:$0x3F99] =	sst s1;
	(tag) =	ssettag s2;
	_ =	strace s9  }
0x27: {  	s1 =	sld [smem:$0x3FA9]  }
0x28: {  	s2 =	sld [smem:$0x3FAA]  }
0x29: {  	s4 =	sld [smem:$0x3FAC]  }
0x2a: {  	p0 =	seq.s32 s5, $0x0;
	s5 =	sld [smem:$0x3FAD]  }
0x2b: {  	s6 =	sld [smem:$0x3FAE]  }
0x2c: {  	s7 =	sld [smem:$0x3FAF]  }
0x2d: {  	s3 =	simm.s32 $0x108;
	s8 =	sld [smem:$0x3FB0]  }
0x2e: {  	s3 =	simm.s32 @!p0 $0x1082;
	s9 =	sld [smem:$0x3FB1]  }
0x2f: {  	lr =	sadd.s32 s0, s3;
	s0 =	sld [smem:$0x3FA8]  }
0x30: {  	s3 =	sld [smem:$0x3FAB]  }
0x31: {  	[smem:$0x3FB4] =	sst s10  }
0x32: {  	s10 =	sld [smem:$0x3FB2];
	_ =	sdelay $0x3  }
0x33: {  	p0 =	seq.s32 s10, $0x1;
	s10 =	sld [smem:$0x3FB4];
	_ =	sdelay $0x3  }
0x34: {  	[smem:$0x3FB4] =	sst s10  }
0x35: {  	s10 =	sld [smem:$0x3FB3];
	_ =	sdelay $0x3  }
0x36: {  	p1 =	seq.s32 s10, $0x1;
	s10 =	sld [smem:$0x3FB4];
	_ =	sdelay $0x3  }
0x37: {  	[smem:$0x3FB4] =	sst s10  }
0x38: {  	s10 =	sld [smem:$0x3FB5]  }
0x39: {  	_ = 	snop;
	(pc) =	sbr.ind lr, $3  }
0x3a: {  	_ = 	snop  }
0x3b: {  	_ = 	snop  }
0x3c: {  	p2 =	seq.s32 s10, $0x1;
	s10 =	sld [smem:$0x3FB4]  }
0x3d: {  	_ =	shalt  }
0x3e: {  	_ =	shalt  }
0x3f: {  	_ =	shalt  }
0x40: {  	_ =	shalt  }
0x41: {  	_ =	shalt  }
0x42: {  	_ =	shalt  }
0x43: {  	_ =	shalt  }
0x44: {  	_ =	shalt  }
0x45: {  	_ =	shalt  }
0x46: {  	_ =	shalt  }
0x47: {  	_ =	shalt  }
0x48: {  	_ =	shalt  }
0x49: {  	_ =	shalt  }
0x4a: {  	_ =	shalt  }
0x4b: {  	_ =	shalt  }
0x4c: {  	_ =	shalt  }
0x4d: {  	_ =	shalt  }
0x4e: {  	_ =	shalt  }
0x4f: {  	_ =	shalt  }
0x50: {  	_ =	shalt  }
0x51: {  	_ =	shalt  }
0x52: {  	_ =	shalt  }
0x53: {  	_ =	shalt  }
0x54: {  	_ =	shalt  }
0x55: {  	_ =	shalt  }
0x56: {  	_ =	shalt  }
0x57: {  	_ =	shalt  }
0x58: {  	_ =	shalt  }
0x59: {  	_ =	shalt  }
0x5a: {  	_ =	shalt  }
0x5b: {  	_ =	shalt  }
0x5c: {  	_ =	shalt  }
0x5d: {  	_ =	shalt  }
0x5e: {  	_ =	shalt  }
0x5f: {  	_ =	shalt  }
0x60: {  	_ =	shalt  }
0x61: {  	_ =	shalt  }
0x62: {  	_ =	shalt  }
0x63: {  	_ =	shalt  }
0x64: {  	_ =	shalt  }
0x65: {  	_ =	shalt  }
0x66: {  	_ =	shalt  }
0x67: {  	_ =	shalt  }
0x68: {  	_ =	shalt  }
0x69: {  	_ =	shalt  }
0x6a: {  	_ =	shalt  }
0x6b: {  	_ =	shalt  }
0x6c: {  	_ =	shalt  }
0x6d: {  	_ =	shalt  }
0x6e: {  	_ =	shalt  }
0x6f: {  	_ =	shalt  }
0x70: {  	_ =	shalt  }
0x71: {  	_ =	shalt  }
0x72: {  	_ =	shalt  }
0x73: {  	_ =	shalt  }
0x74: {  	_ =	shalt  }
0x75: {  	_ =	shalt  }
0x76: {  	_ =	shalt  }
0x77: {  	_ =	shalt  }
0x78: {  	_ =	shalt  }
0x79: {  	_ =	shalt  }
0x7a: {  	_ =	shalt  }
0x7b: {  	_ =	shalt  }
0x7c: {  	_ =	shalt  }
0x7d: {  	_ =	shalt  }
0x7e: {  	_ =	shalt  }
0x7f: {  	_ =	shalt  }
0x80: {  	_ =	shalt  }
0x81: {  	_ =	shalt  }
0x82: {  	_ =	shalt  }
0x83: {  	_ =	shalt  }
0x84: {  	_ =	shalt  }
0x85: {  	_ =	shalt  }
0x86: {  	_ =	shalt  }
0x87: {  	_ =	shalt  }
.Lfunc_end0:
.L_simem_size_0:
called_computation.2_lowered:
.L_overlay_start_0:
0x88: {  	s2 =	sld [smem:$0x3FD9]  }
0x89: {  	s3 =	sld [smem:$0x3FFE];
	_ =	sdelay $0x1  }
0x8a: {  	s1 =	srdreg.scid  }
0x8b: {  	s0 =	sand.u32 $0x1, s1  }
0x8c: {  	s17 =	sshll.u32 s0, $0xA;
	s2 =	sadd.s32 s3, s2  }
0x8d: {  	s2 =	sadd.s32 s2, s17  }
0x8e: {  	[smem:$0x3FC0] =	sst s2  }
0x8f: {  	_ = 	snop  }
0x90: {  	s2 =	sld [smem:$0x3FD0];
	(tm) =	ssettm $0x1  }
0x91: {  	s18 =	sld [smem:$0x3FFB];
	_ =	sdelay $0x3  }
0x92: {  	_ =	strace s18  }
0x93: {  	s3 =	sld [smem:$0x3FFC];
	_ =	sdelay $0x3  }
0x94: {  	_ =	strace s3  }
0x95: {  	s3 =	sld [smem:$0x3FFD];
	_ =	sdelay $0x3  }
0x96: {  	_ =	strace s3  }
0x97: {  	_ =	strace $0x8FFFFFFF  }
0x98: {  	s19 =	sld [smem:$0x3FDB];
	_ =	sdelay $0x1  }
0x99: {  	s4 =	simm.s32 $_scs_section_size  }
0x9a: {  	s5 =	simm.s32 $_size__tile_overlayer_lowered;
	s6 =	simm.s32 $_tile_overlayer_lowered  }
0x9b: {  	s22 =	simm.s32 $0x1BFF;
	s21 =	sshll.u32 s6, $0x1;
	s3 =	sadd.s32 s4, s19  }
0x9c: {  	s7 =	simm.s32 $0x0;
	s20 =	sshll.u32 s5, $0x1;
	s5 =	sadd.s32 s21, s3  }
0x9d: {  	[timem:s7], [sflag:s22] =	dma.local [hbm:s5], s20  }
0x9e: {  	_ =	swait.ge [sflag:s22], s20  }
0x9f: {  	s4 =	ssub.s32 $0x0, s20;
	[sflag:s22] =	ssyncset.done $0x0  }
0xa0: {  	[sflag:s22] =	ssyncadd.s32 s4;
	_ =	sdelay $0x1  }
0xa1: {  	s23 =	simm.s32 $0x1B8B  }
0xa2: {  	_ =	swait.ge [sflag:s23], $0x1  }
0xa3: {  	[sflag:s23] =	ssyncset.done $0x0  }
0xa4: {  	s25 =	simm.s32 $0x1B8E;
	s24 =	sld [smem:$0x3FFE];
	[sflag:s23] =	ssyncadd.s32 $0xFFFFFFFF  }
0xa5: {  	s26 =	simm.s32 $execute0_lowered;
	[smem:$0x3FD2] =	sst s25  }
0xa6: {  	s5 =	sshll.u32 s26, $0x1;
	_ =	strace $0x8000004C;
	[dreg:$0x1] =	wrdreg $0xFFFFFFFF  }
0xa7: {  	s28 =	simm.s32 $_size_execute0_lowered;
	s3 =	sadd.s32 s3, s5;
	[dreg:$0x0] =	wrdreg $0x0  }
0xa8: {  	s5 =	sshll.u32 s28, $0x1;
	[dreg:$0x2] =	wrdreg s3  }
0xa9: {  	[dreg:$0x3] =	wrdreg s5  }
0xaa: {  	[dreg:$0x4] =	wrdreg $0xC0  }
0xab: {  	_ =	task [dreg:s7], $0x5FFFF  }
0xac: {  	[dreg:$0x1] =	wrdreg $0xFFFFFFFF  }
0xad: {  	[dreg:$0x0] =	wrdreg $0x60  }
0xae: {  	[dreg:$0x2] =	wrdreg s2  }
0xaf: {  	[dreg:$0x3] =	wrdreg s24  }
0xb0: {  	[dreg:$0x4] =	wrdreg $0x90000  }
0xb1: {  	[dreg:$0x5] =	wrdreg $0x9  }
0xb2: {  	_ =	task.clear_ibuf [dreg:s7], $0x6FFFF;
	_ =	strace $0x9000004C  }
0xb3: {  	s29 =	simm.s32 $0x9;
	_ =	strace $0x8000004E  }
0xb4: {  	_ =	swait.ge [sflag:s29], $0x1  }
0xb5: {  	[sflag:s29] =	ssyncadd.s32 $0xFFFFFFFF  }
0xb6: {  	_ =	strace $0x9000004E  }
0xb7: {  	_ =	sfence  }
0xb8: {  	s30 =	sld [smem:$0x0];
	_ =	sdelay $0x2  }
0xb9: {  	s31 =	sshll.u32 s1, $0xD;
	s1 =	sshrl.u32 s1, $0x2  }
0xba: {  	s3 =	sand.u32 $0x4000, s31;
	s1 =	sadd.s32 s1, s30  }
0xbb: {  	s0 =	sor.u32 s3, s0;
	s1 =	sshll.u32 s1, $0x11  }
0xbc: {  	s0 =	sor.u32 s1, s0  }
0xbd: {  	s0 =	sadd.s32 $0x8F2B, s0  }
0xbe: {  	[sflag:s0] =	ssyncadd.remote.s32 $0x1  }
0xbf: {  	_ =	sfence.sel $0xFFFF  }
0xc0: {  	[dreg:$0x0] =	wrdreg $0xFFFFFFFF;
	(pc) =	sbr.abs _section_cstart, $3  }
0xc1: {  	[dreg:$0x1] =	wrdreg $0xFFFFFFFF  }
0xc2: {  	_ =	task.clear_ibuf [dreg:s7], $0x2FFFF;
	_ =	strace $0x9FFFFFFF  }
0xc3: {  	(tm) =	ssettm $0x7FFFFFFF  }
tec
execute0_lowered:
.L_overlay_start_1:
0x0: {  	(tag) =	ssettag $0x1  }
0x1: {  	s1 =	rddreg [dreg:$0x0]  }
0x2: {  	s5 =	rddreg [dreg:$0x1]  }
0x3: {  	s3 =	rddreg [dreg:$0x2];
	s4 =	srdreg.scid  }
0x4: {  	s0 =	rddreg [dreg:$0x3];
	s2 =	stileid.u32  }
0x5: {  	s14 =	simm.s32 $0x2;
	s15 =	simm.s32 $0x2800;
	s16 =	simm.s32 $0x5000  }
0x6: {  	s17 =	simm.s32 $0x7D;
	s18 =	simm.s32 $0x1;
	s21 =	simm.s32 $0x0  }
0x7: {  	s6 =	sand.u32 $0x1, s4;
	s4 =	simm.s32 $0x0;
	s9 =	smul.u32 $0x13C00, s2  }
0x8: {  	s7 =	sshll.u32 s2, $0x1;
	s30 =	smul.u32 $0x4E200, s2;
	s19 =	sshll.u32 s2, $0x6  }
0x9: {  	s8 =	smul.u32 $0x13C000, s6;
	[smem:$0x7FF] =	sst s4;
	s7 =	sor.u32 s6, s7  }
0xa: {  	s6 =	ssub.s32 $0x2, s6;
	s19 =	sor.u32 $0x1C02, s19;
	_ =	strace $0x8000004D  }
0xb: {  	s7 =	smul.u32 $0x500, s7;
	s10 =	sshrl.u32 s6, $0x1;
	s8 =	sadd.s32 s9, s8  }
0xc: {  	s31 =	sshrl.u32 s30, $0x2;
	s13 =	ssub.s32 s6, s10;
	s8 =	sshrl.u32 s8, $0x3  }
0xd: {  	s7 =	sadd.s32 s7, s5;
	s13 =	smax.u32 s13, $0x1;
	s12 =	sadd.s32 s8, s5  }
0xe: {  	s5 =	sadd.s32 $0xC600, s7;
	s6 =	sadd.s32 $0x2600, s7;
	s7 =	sadd.s32 s31, s3  }
0xf: {  	s8 =	sadd.s32 $0x3E80, s7;
	s9 =	sadd.s32 $0x7D00, s7;
	s10 =	sadd.s32 $0xBB80, s7  }
0x10: {  	v0 =	vimm.f32 $0.0e+00;
	s11 =	sadd.s32 $0xFA00, s7;
	s12 =	sadd.s32 $0x16600, s12;
	s20 =	sshrl.u32 s7, $0x3  }
.LBB2_1:
0x11: {  	[tilespmem:s4], [sflag:$0x2] =	stream.linear.gather [hbm4b:s5+s4], $0x2800, $0x38;
	[tilespmem:$0x1C880] =	vst v63  }
0x12: {  	_ =	swait.ge [sflag:s14], $0x2800  }
0x13: {  	[sflag:s14] =	ssyncset.done $0x0  }
0x14: {  	[sflag:s14] =	ssyncadd.s32 $0xFFFFD800  }
0x15: {  	[tilespmem:s15], [sflag:$0x2] =	stream.linear.gather [hbm4b:s6+s4], $0x2800, $0x38;
	[tilespmem:$0x1C880] =	vst v63  }
0x16: {  	_ =	swait.ge [sflag:s14], $0x2800  }
0x17: {  	[sflag:s14] =	ssyncset.done $0x0  }
0x18: {  	s22 =	simm.s32 $0x0;
	s23 =	simm.s32 $0x200;
	[sflag:s14] =	ssyncadd.s32 $0xFFFFD800  }
.LBB2_2:
0x19: {  	p0 =	sne.s32 s23, $0xF800;
	[tilespmem:s22+$0x5070] =	vst v0  }
0x1a: {  	[tilespmem:s22+$0x5000] =	vst v0  }
0x1b: {  	[tilespmem:s22+$0x5010] =	vst v0  }
.Ltmp0:
0x1c: {  	[tilespmem:s22+$0x5020] =	vst v0;
	(pc) =	sbr.rel @p0 .LBB2_2-.Ltmp0, $4  }
0x1d: {  	[tilespmem:s22+$0x5030] =	vst v0  }
0x1e: {  	[tilespmem:s22+$0x5040] =	vst v0  }
0x1f: {  	[tilespmem:s22+$0x5050] =	vst v0  }
0x20: {  	[tilespmem:s22+$0x5060] =	vst v0;
	s22 =	sshra.s32 s23, $0x2;
	s23 =	sadd.s32 $0x200, s23  }
0x21: {  	[tilespmem:s22+$0x5070] =	vst v0  }
0x22: {  	[tilespmem:s22+$0x5000] =	vst v0  }
0x23: {  	[tilespmem:s22+$0x5010] =	vst v0  }
0x24: {  	[tilespmem:s22+$0x5020] =	vst v0  }
0x25: {  	[tilespmem:s22+$0x5030] =	vst v0  }
0x26: {  	[tilespmem:s22+$0x5040] =	vst v0  }
0x27: {  	[tilespmem:s22+$0x5050] =	vst v0  }
0x28: {  	[tilespmem:s22+$0x5060] =	vst v0  }
0x29: {  	[spmem:s7] =	stream.linear.scatter [tilespmem:s16], [sflag:$0x2], $0x3E80, $0x38;
	[tilespmem:$0x1C880] =	vst v63  }
0x2a: {  	_ =	swait.ge [sflag:s14], $0x3E80  }
0x2b: {  	[sflag:s14] =	ssyncset.done $0x0  }
0x2c: {  	[sflag:s14] =	ssyncadd.s32 $0xFFFFC180  }
0x2d: {  	[spmem:s8] =	stream.linear.scatter [tilespmem:s16], [sflag:$0x2], $0x3E80, $0x38;
	[tilespmem:$0x1C880] =	vst v63  }
0x2e: {  	_ =	swait.ge [sflag:s14], $0x3E80  }
0x2f: {  	[sflag:s14] =	ssyncset.done $0x0  }
0x30: {  	[sflag:s14] =	ssyncadd.s32 $0xFFFFC180  }
0x31: {  	[spmem:s9] =	stream.linear.scatter [tilespmem:s16], [sflag:$0x2], $0x3E80, $0x38;
	[tilespmem:$0x1C880] =	vst v63  }
0x32: {  	_ =	swait.ge [sflag:s14], $0x3E80  }
0x33: {  	[sflag:s14] =	ssyncset.done $0x0  }
0x34: {  	[sflag:s14] =	ssyncadd.s32 $0xFFFFC180  }
0x35: {  	[spmem:s10] =	stream.linear.scatter [tilespmem:s16], [sflag:$0x2], $0x3E80, $0x38;
	[tilespmem:$0x1C880] =	vst v63  }
0x36: {  	_ =	swait.ge [sflag:s14], $0x3E80  }
0x37: {  	[sflag:s14] =	ssyncset.done $0x0  }
0x38: {  	[sflag:s14] =	ssyncadd.s32 $0xFFFFC180  }
0x39: {  	[spmem:s11] =	stream.linear.scatter [tilespmem:s16], [sflag:$0x2], $0x3E80, $0x38;
	[tilespmem:$0x1C880] =	vst v63  }
0x3a: {  	_ =	swait.ge [sflag:s14], $0x3E80  }
0x3b: {  	[sflag:s14] =	ssyncset.done $0x0  }
0x3c: {  	[sflag:s14] =	ssyncadd.s32 $0xFFFFC180  }
0x3d: {  	s30 =	simm.s32 $0x0;
	[bflag:$0x0] =	sbarrier.arrive $0xFFFF  }
0x3e: {  	[tilespmem:s16], [sflag:$0x1] =	stream.indirect.gather [hbm4b:s1+s17], $0x80, s30, s17, $0xb8;
	[tilespmem:$0x1C880] =	vst v63  }
0x3f: {  	_ =	swait.ge [sflag:s18], $0x3E80  }
0x40: {  	[sflag:s18] =	ssyncset.done $0x0  }
0x41: {  	s31 =	simm.s32 $0x2800;
	[sflag:s18] =	ssyncadd.s32 $0xFFFFC180  }
0x42: {  	[spmem:s3] =	stream.indirect.scatter.add.f32 [tilespmem:s16], [sflag:$0x2], $0x80, s31, s17, $0xb8;
	[tilespmem:$0x1C880] =	vst v63  }
0x43: {  	_ =	swait.ge [sflag:s14], $0x3E80  }
0x44: {  	s22 =	simm.s32 $0x200;
	s23 =	simm.s32 $0x400;
	[sflag:s14] =	ssyncset.done $0x0  }
.LBB2_4:
0x45: {  	s24 =	sshra.s32 s22, $0x2  }
0x46: {  	[sflag:s14] =	ssyncadd.s32 $0xFFFFC180;
	s22 =	smov.u32 s23;
	s25 =	sadd.s32 $0x200, s23  }
0x47: {  	[tilespmem:s16], [sflag:$0x1] =	stream.indirect.gather [hbm4b:s1+s17], $0x80, s24, s17, $0xb8;
	[tilespmem:$0x1C880] =	vst v63  }
0x48: {  	p0 =	sne.s32 s23, $0x9E00;
	_ =	swait.ge [sflag:s18], $0x3E80  }
.Ltmp1:
0x49: {  	[sflag:s18] =	ssyncset.done $0x0;
	(pc) =	sbr.rel @p0 .LBB2_4-.Ltmp1, $4  }
0x4a: {  	s23 =	sadd.s32 $0x2800, s24;
	[sflag:s18] =	ssyncadd.s32 $0xFFFFC180  }
0x4b: {  	[spmem:s3] =	stream.indirect.scatter.add.f32 [tilespmem:s16], [sflag:$0x2], $0x80, s23, s17, $0xb8;
	[tilespmem:$0x1C880] =	vst v63  }
0x4c: {  	_ =	swait.ge [sflag:s14], $0x3E80  }
0x4d: {  	s23 =	smov.u32 s25;
	[sflag:s14] =	ssyncset.done $0x0  }
0x4e: {  	s22 =	sshra.s32 s22, $0x2;
	[sflag:s14] =	ssyncadd.s32 $0xFFFFC180  }
0x4f: {  	[tilespmem:s16], [sflag:$0x1] =	stream.indirect.gather [hbm4b:s1+s17], $0x80, s22, s17, $0xb8;
	[tilespmem:$0x1C880] =	vst v63  }
0x50: {  	_ =	swait.ge [sflag:s18], $0x3E80  }
0x51: {  	[sflag:s18] =	ssyncset.done $0x0  }
0x52: {  	s22 =	sadd.s32 $0x2800, s22;
	[sflag:s18] =	ssyncadd.s32 $0xFFFFC180  }
0x53: {  	[spmem:s3] =	stream.indirect.scatter.add.f32 [tilespmem:s16], [sflag:$0x2], $0x80, s22, s17, $0xb8;
	[tilespmem:$0x1C880] =	vst v63  }
0x54: {  	_ =	swait.ge [sflag:s14], $0x3E80  }
0x55: {  	s21 =	sadd.s32 $0x1, s21;
	[sflag:s14] =	ssyncset.done $0x0  }
0x56: {  	p0 =	sne.s32 s21, s13;
	[sflag:s14] =	ssyncadd.s32 $0xFFFFC180  }
.Ltmp2:
0x57: {  	[bflag:$0x0] =	sbarrier.arrive $0xFFFF;
	(pc) =	sbr.rel @p0 .LBB2_1-.Ltmp2, $4  }
0x58: {  	[hbm:s12], [sflag:s19] =	dma.local [spmem:s20], $0x2710  }
0x59: {  	_ =	swait.ge [sflag:s14], $0x2710  }
0x5a: {  	[sflag:s14] =	ssyncset.done $0x0  }
0x5b: {  	[sflag:s14] =	ssyncadd.s32 $0xFFFFD8F0  }
0x5c: {  	_ =	sfence.sel $0x180000  }
0x5d: {  	[bflag:$0x0] =	sbarrier.arrive $0xFFFF  }
0x5e: {  	p0 =	sne.s32 s2, $0x0;
	_ =	strace $0x9000004D  }
0x5f: {  	s0 =	sadd.s32 @!p0 $0x100000, s0;
	[bflag:$0x2] =	sbarrier.arrive $0xFFFF  }
0x60: {  	[sflag:s0] =	ssyncadd.tile.s32 @!p0 $0x1;
	_ =	shalt  }
.Lfunc_end2:
_tile_overlayer_lowered:
.L_overlay_start_2:
0x61: {  	(tag) =	ssettag $0x2  }
0x62: {  	s0 =	rddreg [dreg:$0x0];
	s2 =	stileid.u32  }
0x63: {  	s1 =	rddreg [dreg:$0x1];
	p0 =	sne.s32 s2, $0x0  }
0x64: {  	s3 =	rddreg [dreg:$0x2];
	[bflag:$0x3] =	sbarrier.arrive $0xFFFF;
	s2 =	simm.s32 @!p0 $0x1C02  }
0x65: {  	[timem:s3], [sflag:s2] =	dma.local @!p0 [hbm:s0], s1  }
0x66: {  	s0 =	simm.s32 @!p0 $0x2  }
0x67: {  	_ =	swait.ge @!p0 [sflag:s0], s1  }
0x68: {  	s1 =	ssub.s32 @!p0 $0x0, s1;
	[sflag:s0] =	ssyncset.done @!p0 $0x0  }
0x69: {  	[sflag:s0] =	ssyncadd.s32 @!p0 s1  }
0x6a: {  	[bflag:$0x3] =	sbarrier.arrive $0xFFFF  }
0x6b: {  	_ =	shalt  }

// kernel: kernel.9.cloned.1.call-start
scs
__scs_entry_jumppad:
0x0: {  	(pc) =	sbr.rel $0x88, $3  }
0x1: {  	(tag) =	ssettag $0x0;
	lr =	simm.s32 $0x1  }
0x2: {  	[smem:$0x3F99] =	sst lr;
	_ =	strace $0xD0000000  }
0x3: {  	_ = 	snop  }
0x4: {  	_ = 	snop  }
0x5: {  	_ = 	snop  }
0x6: {  	_ = 	snop  }
0x7: {  	_ = 	snop  }
__scs_overlays_trampoline_lowered:
0x8: {  	[smem:$0x3FA8] =	sst s0  }
0x9: {  	[smem:$0x3FA9] =	sst s1  }
0xa: {  	[smem:$0x3FAA] =	sst s2  }
0xb: {  	[smem:$0x3FAB] =	sst s3  }
0xc: {  	[smem:$0x3FAC] =	sst s4  }
0xd: {  	[smem:$0x3FAD] =	sst s5  }
0xe: {  	[smem:$0x3FAE] =	sst s6  }
0xf: {  	[smem:$0x3FAF] =	sst s7  }
0x10: {  	[smem:$0x3FB0] =	sst s8  }
0x11: {  	[smem:$0x3FB1] =	sst s9;
	s0 =	simm.s32 @!p0 $0x0  }
0x12: {  	s1 =	sld [smem:$0x3F97];
	s0 =	simm.s32 @p0 $0x1  }
0x13: {  	[smem:$0x3FB2] =	sst s0;
	s0 =	simm.s32 @!p1 $0x0  }
0x14: {  	s2 =	sld [smem:$0x3F96];
	s0 =	simm.s32 @p1 $0x1  }
0x15: {  	[smem:$0x3FB3] =	sst s0;
	s0 =	simm.s32 @!p2 $0x0  }
0x16: {  	s3 =	sld [smem:$0x3FDB];
	s0 =	simm.s32 @p2 $0x1  }
0x17: {  	s4 =	simm.s32 $0x1BF5;
	[smem:$0x3FB5] =	sst s0  }
0x18: {  	s0 =	sld [smem:$0x3F98];
	_ =	swait.ge [sflag:s4], $0x0  }
0x19: {  	s7 =	sld [smem:$0x3F99]  }
0x1a: {  	s8 =	sadd.s32 $0xFFFFE003, lr  }
0x1b: {  	s9 =	sadd.s32 $0xFFFFFEF7, lr;
	s5 =	simm.s32 $0xFFFFFFFF;
	p2 =	slt.u32 s8, $0xFFFFF086  }
0x1c: {  	p1 =	slt.u32 s9, $0xF7A;
	s5 =	simm.s32 @!p2 $0x0  }
0x1d: {  	s5 =	simm.s32 @p1 $0x1;
	p0 =	seq.s32 s7, s2  }
0x1e: {  	s7 =	smul.u32 @!p0 $0xF7A, s2;
	p2 =	seq.s32 @!p0 s5, $0x0  }
0x1f: {  	s9 =	smul.u32 $0xF7A, s1;
	s8 =	simm.s32 @!p0 $0x1BF5;
	p2 =	por !p2, p0  }
0x20: {  	[sflag:s8] =	ssyncset.s32 @!p0 $0xFFFFF086;
	s6 =	sadd.s32 @!p0 s3, s7;
	s7 =	simm.s32 @!p0 $0x108  }
0x21: {  	s3 =	sadd.s32 s3, s9;
	s6 =	sadd.s32 @!p0 $0x88, s6;
	s7 =	simm.s32 @p2 $0x1082  }
0x22: {  	[simem:s7], [sflag:s8] =	dma.local @!p0 [hbm:s6], $0xF7A  }
0x23: {  	s9 =	sor.u32 $0xD0000000, s2;
	s6 =	simm.s32 $0x108;
	_ =	swait.ge @!p0 [sflag:s8], $0x0  }
0x24: {  	s3 =	sadd.s32 $0x88, s3;
	s6 =	simm.s32 @!p1 $0x1082;
	[sflag:s4] =	ssyncset.s32 $0xFFFFF086  }
0x25: {  	[simem:s6], [sflag:s4] =	dma.local [hbm:s3], $0xF7A  }
0x26: {  	[smem:$0x3F99] =	sst s1;
	(tag) =	ssettag s2;
	_ =	strace s9  }
0x27: {  	s1 =	sld [smem:$0x3FA9]  }
0x28: {  	s2 =	sld [smem:$0x3FAA]  }
0x29: {  	s4 =	sld [smem:$0x3FAC]  }
0x2a: {  	p0 =	seq.s32 s5, $0x0;
	s5 =	sld [smem:$0x3FAD]  }
0x2b: {  	s6 =	sld [smem:$0x3FAE]  }
0x2c: {  	s7 =	sld [smem:$0x3FAF]  }
0x2d: {  	s3 =	simm.s32 $0x108;
	s8 =	sld [smem:$0x3FB0]  }
0x2e: {  	s3 =	simm.s32 @!p0 $0x1082;
	s9 =	sld [smem:$0x3FB1]  }
0x2f: {  	lr =	sadd.s32 s0, s3;
	s0 =	sld [smem:$0x3FA8]  }
0x30: {  	s3 =	sld [smem:$0x3FAB]  }
0x31: {  	[smem:$0x3FB4] =	sst s10  }
0x32: {  	s10 =	sld [smem:$0x3FB2];
	_ =	sdelay $0x3  }
0x33: {  	p0 =	seq.s32 s10, $0x1;
	s10 =	sld [smem:$0x3FB4];
	_ =	sdelay $0x3  }
0x34: {  	[smem:$0x3FB4] =	sst s10  }
0x35: {  	s10 =	sld [smem:$0x3FB3];
	_ =	sdelay $0x3  }
0x36: {  	p1 =	seq.s32 s10, $0x1;
	s10 =	sld [smem:$0x3FB4];
	_ =	sdelay $0x3  }
0x37: {  	[smem:$0x3FB4] =	sst s10  }
0x38: {  	s10 =	sld [smem:$0x3FB5]  }
0x39: {  	_ = 	snop;
	(pc) =	sbr.ind lr, $3  }
0x3a: {  	_ = 	snop  }
0x3b: {  	_ = 	snop  }
0x3c: {  	p2 =	seq.s32 s10, $0x1;
	s10 =	sld [smem:$0x3FB4]  }
0x3d: {  	_ =	shalt  }
0x3e: {  	_ =	shalt  }
0x3f: {  	_ =	shalt  }
0x40: {  	_ =	shalt  }
0x41: {  	_ =	shalt  }
0x42: {  	_ =	shalt  }
0x43: {  	_ =	shalt  }
0x44: {  	_ =	shalt  }
0x45: {  	_ =	shalt  }
0x46: {  	_ =	shalt  }
0x47: {  	_ =	shalt  }
0x48: {  	_ =	shalt  }
0x49: {  	_ =	shalt  }
0x4a: {  	_ =	shalt  }
0x4b: {  	_ =	shalt  }
0x4c: {  	_ =	shalt  }
0x4d: {  	_ =	shalt  }
0x4e: {  	_ =	shalt  }
0x4f: {  	_ =	shalt  }
0x50: {  	_ =	shalt  }
0x51: {  	_ =	shalt  }
0x52: {  	_ =	shalt  }
0x53: {  	_ =	shalt  }
0x54: {  	_ =	shalt  }
0x55: {  	_ =	shalt  }
0x56: {  	_ =	shalt  }
0x57: {  	_ =	shalt  }
0x58: {  	_ =	shalt  }
0x59: {  	_ =	shalt  }
0x5a: {  	_ =	shalt  }
0x5b: {  	_ =	shalt  }
0x5c: {  	_ =	shalt  }
0x5d: {  	_ =	shalt  }
0x5e: {  	_ =	shalt  }
0x5f: {  	_ =	shalt  }
0x60: {  	_ =	shalt  }
0x61: {  	_ =	shalt  }
0x62: {  	_ =	shalt  }
0x63: {  	_ =	shalt  }
0x64: {  	_ =	shalt  }
0x65: {  	_ =	shalt  }
0x66: {  	_ =	shalt  }
0x67: {  	_ =	shalt  }
0x68: {  	_ =	shalt  }
0x69: {  	_ =	shalt  }
0x6a: {  	_ =	shalt  }
0x6b: {  	_ =	shalt  }
0x6c: {  	_ =	shalt  }
0x6d: {  	_ =	shalt  }
0x6e: {  	_ =	shalt  }
0x6f: {  	_ =	shalt  }
0x70: {  	_ =	shalt  }
0x71: {  	_ =	shalt  }
0x72: {  	_ =	shalt  }
0x73: {  	_ =	shalt  }
0x74: {  	_ =	shalt  }
0x75: {  	_ =	shalt  }
0x76: {  	_ =	shalt  }
0x77: {  	_ =	shalt  }
0x78: {  	_ =	shalt  }
0x79: {  	_ =	shalt  }
0x7a: {  	_ =	shalt  }
0x7b: {  	_ =	shalt  }
0x7c: {  	_ =	shalt  }
0x7d: {  	_ =	shalt  }
0x7e: {  	_ =	shalt  }
0x7f: {  	_ =	shalt  }
0x80: {  	_ =	shalt  }
0x81: {  	_ =	shalt  }
0x82: {  	_ =	shalt  }
0x83: {  	_ =	shalt  }
0x84: {  	_ =	shalt  }
0x85: {  	_ =	shalt  }
0x86: {  	_ =	shalt  }
0x87: {  	_ =	shalt  }
.Lfunc_end0:
.L_simem_size_0:
called_computation_lowered:
.L_overlay_start_0:
0x88: {  	s2 =	sld [smem:$0x3FD9]  }
0x89: {  	s3 =	sld [smem:$0x3FFE];
	_ =	sdelay $0x1  }
0x8a: {  	s1 =	srdreg.scid  }
0x8b: {  	s0 =	sand.u32 $0x1, s1  }
0x8c: {  	s17 =	sshll.u32 s0, $0xA;
	s2 =	sadd.s32 s3, s2  }
0x8d: {  	s2 =	sadd.s32 s2, s17  }
0x8e: {  	[smem:$0x3FC0] =	sst s2  }
0x8f: {  	_ = 	snop  }
0x90: {  	s2 =	sld [smem:$0x3FD0];
	(tm) =	ssettm $0x1  }
0x91: {  	s18 =	sld [smem:$0x3FFB];
	_ =	sdelay $0x3  }
0x92: {  	_ =	strace s18  }
0x93: {  	s3 =	sld [smem:$0x3FFC];
	_ =	sdelay $0x3  }
0x94: {  	_ =	strace s3  }
0x95: {  	s3 =	sld [smem:$0x3FFD];
	_ =	sdelay $0x3  }
0x96: {  	_ =	strace s3  }
0x97: {  	_ =	strace $0x8FFFFFFF  }
0x98: {  	s19 =	sld [smem:$0x3FDB];
	_ =	sdelay $0x1  }
0x99: {  	s4 =	simm.s32 $_scs_section_size  }
0x9a: {  	s5 =	simm.s32 $_size__tile_overlayer_lowered;
	s6 =	simm.s32 $_tile_overlayer_lowered  }
0x9b: {  	s22 =	simm.s32 $0x1BFF;
	s21 =	sshll.u32 s6, $0x1;
	s3 =	sadd.s32 s4, s19  }
0x9c: {  	s7 =	simm.s32 $0x0;
	s20 =	sshll.u32 s5, $0x1;
	s5 =	sadd.s32 s21, s3  }
0x9d: {  	[timem:s7], [sflag:s22] =	dma.local [hbm:s5], s20  }
0x9e: {  	_ =	swait.ge [sflag:s22], s20  }
0x9f: {  	s4 =	ssub.s32 $0x0, s20;
	[sflag:s22] =	ssyncset.done $0x0  }
0xa0: {  	[sflag:s22] =	ssyncadd.s32 s4;
	_ =	sdelay $0x1  }
0xa1: {  	s23 =	simm.s32 $0x1B8B  }
0xa2: {  	_ =	swait.ge [sflag:s23], $0x1  }
0xa3: {  	[sflag:s23] =	ssyncset.done $0x0  }
0xa4: {  	s25 =	simm.s32 $0x1B8E;
	s24 =	sld [smem:$0x3FFE];
	[sflag:s23] =	ssyncadd.s32 $0xFFFFFFFF  }
0xa5: {  	s26 =	simm.s32 $execute0_lowered;
	[smem:$0x3FD2] =	sst s25  }
0xa6: {  	s5 =	sshll.u32 s26, $0x1;
	_ =	strace $0x80000046;
	[dreg:$0x1] =	wrdreg $0xFFFFFFFF  }
0xa7: {  	s28 =	simm.s32 $_size_execute0_lowered;
	s3 =	sadd.s32 s3, s5;
	[dreg:$0x0] =	wrdreg $0x0  }
0xa8: {  	s5 =	sshll.u32 s28, $0x1;
	[dreg:$0x2] =	wrdreg s3  }
0xa9: {  	[dreg:$0x3] =	wrdreg s5  }
0xaa: {  	[dreg:$0x4] =	wrdreg $0xC0  }
0xab: {  	_ =	task [dreg:s7], $0x5FFFF  }
0xac: {  	[dreg:$0x1] =	wrdreg $0xFFFFFFFF  }
0xad: {  	[dreg:$0x0] =	wrdreg $0x60  }
0xae: {  	[dreg:$0x2] =	wrdreg s2  }
0xaf: {  	[dreg:$0x3] =	wrdreg s24  }
0xb0: {  	[dreg:$0x4] =	wrdreg $0x7A000  }
0xb1: {  	[dreg:$0x5] =	wrdreg $0x9  }
0xb2: {  	_ =	task.clear_ibuf [dreg:s7], $0x6FFFF;
	_ =	strace $0x90000046  }
0xb3: {  	s29 =	simm.s32 $0x9;
	_ =	strace $0x80000048  }
0xb4: {  	_ =	swait.ge [sflag:s29], $0x1  }
0xb5: {  	[sflag:s29] =	ssyncadd.s32 $0xFFFFFFFF  }
0xb6: {  	_ =	strace $0x90000048  }
0xb7: {  	_ =	sfence  }
0xb8: {  	s30 =	sld [smem:$0x0];
	_ =	sdelay $0x2  }
0xb9: {  	s31 =	sshll.u32 s1, $0xD;
	s1 =	sshrl.u32 s1, $0x2  }
0xba: {  	s3 =	sand.u32 $0x4000, s31;
	s1 =	sadd.s32 s1, s30  }
0xbb: {  	s0 =	sor.u32 s3, s0;
	s1 =	sshll.u32 s1, $0x11  }
0xbc: {  	s0 =	sor.u32 s1, s0  }
0xbd: {  	s0 =	sadd.s32 $0x8F2B, s0  }
0xbe: {  	[sflag:s0] =	ssyncadd.remote.s32 $0x1  }
0xbf: {  	_ =	sfence.sel $0xFFFF  }
0xc0: {  	[dreg:$0x0] =	wrdreg $0xFFFFFFFF;
	(pc) =	sbr.abs _section_cstart, $3  }
0xc1: {  	[dreg:$0x1] =	wrdreg $0xFFFFFFFF  }
0xc2: {  	_ =	task.clear_ibuf [dreg:s7], $0x2FFFF;
	_ =	strace $0x9FFFFFFF  }
0xc3: {  	(tm) =	ssettm $0x7FFFFFFF  }
tec
execute0_lowered:
.L_overlay_start_1:
0x0: {  	(tag) =	ssettag $0x1  }
0x1: {  	s1 =	srdreg.scid;
	s3 =	rddreg [dreg:$0x0]  }
0x2: {  	s0 =	stileid.u32;
	s5 =	rddreg [dreg:$0x1]  }
0x3: {  	s8 =	rddreg [dreg:$0x2];
	s2 =	simm.s32 $0x0;
	s13 =	simm.s32 $0x14000  }
0x4: {  	s14 =	simm.s32 $0x4F80;
	s15 =	simm.s32 $0x7780;
	s16 =	simm.s32 $0x0  }
0x5: {  	s4 =	sand.u32 $0x1, s1;
	s6 =	sshrl.u32 s0, $0x3;
	s1 =	rddreg [dreg:$0x3]  }
0x6: {  	s10 =	sshll.u32 s0, $0x7;
	[smem:$0x7FF] =	sst s2;
	s29 =	smul.u32 $0x5000, s0  }
0x7: {  	s26 =	sshrl.u32 s0, $0x2;
	s12 =	sshll.u32 s0, $0x8;
	s7 =	smul.u32 $0x2800, s4  }
0x8: {  	s9 =	smul.u32 $0x1400, s6;
	s10 =	sand.u32 $0x380, s10;
	_ =	strace $0x80000047  }
0x9: {  	s11 =	ssub.s32 $0x2, s4;
	s4 =	sshll.u32 s4, $0x7;
	s12 =	sand.u32 $0x300, s12  }
0xa: {  	s6 =	smul.u32 $0x50000, s6;
	s28 =	sshrl.u32 s11, $0x1;
	s4 =	sor.u32 s4, s12  }
0xb: {  	s31 =	sshrl.u32 s29, $0x2;
	s12 =	simm.s32 $0x1400;
	s7 =	sadd.s32 s7, s9  }
0xc: {  	s9 =	smul.u32 $0x13C00, s26;
	s6 =	sshrl.u32 s6, $0x2;
	s7 =	sor.u32 s10, s7  }
0xd: {  	s11 =	ssub.s32 s11, s28;
	s30 =	sadd.s32 s6, s8;
	s7 =	sshrl.u32 s7, $0x3  }
0xe: {  	s4 =	sor.u32 s9, s4;
	s9 =	simm.s32 $0x400;
	s7 =	sadd.s32 s7, s5  }
0xf: {  	s4 =	sshrl.u32 s4, $0x3;
	s5 =	sadd.s32 s31, s8;
	s8 =	simm.s32 $0x80  }
0x10: {  	s3 =	sadd.s32 s3, s4;
	s4 =	sadd.s32 s10, s30;
	s6 =	sadd.s32 $0x1C00, s7  }
0x11: {  	v0 =	vimm.f32 $0.0e+00;
	v1 =	vimm.f32 $1.000000000e+00;
	s7 =	smax.u32 s11, $0x1;
	s10 =	simm.s32 $0x1;
	s11 =	simm.s32 $0x2780  }
.LBB2_1:
0x12: {  	[tilespmem:s2], [sflag:$0x1] =	stream.strided.gather [hbm4b:s3+s8], $0x2780, s9, s8, $0x38;
	[tilespmem:$0xA200] =	vst v63  }
0x13: {  	_ =	swait.ge [sflag:s10], $0x2780  }
0x14: {  	[sflag:s10] =	ssyncset.done $0x0  }
0x15: {  	s17 =	simm.s32 $0x0;
	[sflag:s10] =	ssyncadd.s32 $0xFFFFD880  }
.LBB2_2:
0x16: {  	p0 =	sne.s32 s17, $0x9FC0  }
.Ltmp0:
0x17: {  	_ = 	snop;
	(pc) =	sbr.rel @p0 .LBB2_2-.Ltmp0, $3  }
0x18: {  	_ =	sdelay $0x1  }
0x19: {  	s18 =	sshra.s32 s17, $0x2  }
0x1a: {  	s17 =	sadd.s32 $0x40, s17;
	[tilespmem:s18+$0x2780] =	vst v0  }
0x1b: {  	s18 =	simm.s32 $0x0;
	s17 =	simm.s32 $0x40  }
.LBB2_4:
0x1c: {  	p0 =	sne.s32 s17, $0x9C00;
	v2 =	vld [tilespmem:s18+$0x0];
	_ =	sdelay $0x3  }
.Ltmp1:
0x1d: {  	(pc) =	sbr.rel @p0 .LBB2_4-.Ltmp1, $2  }
0x1e: {  	_ =	sdelay $0x2  }
0x1f: {  	s18 =	sshra.s32 s17, $0x2;
	s17 =	sadd.s32 $0x40, s17;
	[tilespmem:v2+s11+$0x0] =	vst.idx.add.f32.msk $0xffff, v1  }
0x20: {  	v2 =	vld [tilespmem:s18+$0x0];
	_ =	sdelay $0x7  }
0x21: {  	[tilespmem:v2+s11+$0x0] =	vst.idx.add.f32.msk $0xffff, v1  }
0x22: {  	[spmem:s4] =	stream.strided.scatter [tilespmem:s11], [sflag:$0x1], $0x2800, s9, s8, $0x38;
	[tilespmem:$0xA200] =	vst v63  }
0x23: {  	_ =	swait.ge [sflag:s10], $0x2800  }
0x24: {  	[sflag:s10] =	ssyncset.done $0x0  }
0x25: {  	[sflag:s10] =	ssyncadd.s32 $0xFFFFD800  }
0x26: {  	[bflag:$0x0] =	sbarrier.arrive $0xFFFF  }
0x27: {  	[tilespmem:s14], [sflag:$0x1] =	stream.strided.gather [spmem:s5], $0x2800, s13, s12, $0x38;
	[tilespmem:$0xA200] =	vst v63  }
0x28: {  	s17 =	simm.s32 $0x0;
	_ =	swait.ge [sflag:s10], $0x2800  }
0x29: {  	s30 =	sand.u32 $0x70, s17;
	s17 =	sand.u32 $0x1C00, s17;
	[sflag:s10] =	ssyncset.done $0x0  }
0x2a: {  	s17 =	sor.u32 s30, s17;
	[sflag:s10] =	ssyncadd.s32 $0xFFFFD800  }
0x2b: {  	v2 =	vld [tilespmem:s17+$0x5000]  }
0x2c: {  	v3 =	vld [tilespmem:s17+$0x4F80];
	_ =	sdelay $0x1  }
0x2d: {  	v4 =	vld [tilespmem:s17+$0x5080];
	_ =	sdelay $0x1  }
0x2e: {  	v5 =	vld [tilespmem:s17+$0x5100]  }
0x2f: {  	v2 =	vadd.f32 v2, v3  }
0x30: {  	v3 =	vld [tilespmem:s17+$0x5180]  }
0x31: {  	v2 =	vadd.f32 v4, v2  }
0x32: {  	v56 =	vld [tilespmem:s17+$0x5200]  }
0x33: {  	v2 =	vadd.f32 v5, v2  }
0x34: {  	v57 =	vld [tilespmem:s17+$0x5280]  }
0x35: {  	v2 =	vadd.f32 v3, v2  }
0x36: {  	v3 =	vld [tilespmem:s17+$0x5300]  }
0x37: {  	v2 =	vadd.f32 v56, v2  }
0x38: {  	v58 =	vld [tilespmem:s17+$0x6380]  }
0x39: {  	v2 =	vadd.f32 v57, v2  }
0x3a: {  	v59 =	vld [tilespmem:s17+$0x6400]  }
0x3b: {  	v2 =	vadd.f32 v3, v2  }
0x3c: {  	v3 =	vld [tilespmem:s17+$0x6480]  }
0x3d: {  	v2 =	vadd.f32 v58, v2  }
0x3e: {  	v60 =	vld [tilespmem:s17+$0x6500]  }
0x3f: {  	v2 =	vadd.f32 v59, v2  }
0x40: {  	v61 =	vld [tilespmem:s17+$0x6580]  }
0x41: {  	v2 =	vadd.f32 v3, v2  }
0x42: {  	v3 =	vld [tilespmem:s17+$0x6600]  }
0x43: {  	v2 =	vadd.f32 v60, v2  }
0x44: {  	v62 =	vld [tilespmem:s17+$0x6680]  }
0x45: {  	v2 =	vadd.f32 v61, v2  }
0x46: {  	v63 =	vld [tilespmem:s17+$0x6700]  }
0x47: {  	v2 =	vadd.f32 v3, v2;
	_ =	sdelay $0x1  }
0x48: {  	v2 =	vadd.f32 v62, v2;
	_ =	sdelay $0x1  }
0x49: {  	s31 =	simm.s32 $0x10;
	s19 =	simm.s32 $0x80;
	v2 =	vadd.f32 v63, v2  }
0x4a: {  	s18 =	sand.u32 $0x70, s31;
	s20 =	sand.u32 $0x1C00, s19;
	s17 =	simm.s32 $0x7780  }
0x4b: {  	s18 =	sor.u32 s18, s20;
	s20 =	simm.s32 $0x20;
	[tilespmem:s17+$0x0] =	vst v2  }
.LBB2_6:
0x4c: {  	p0 =	sne.s32 s20, $0x270;
	v2 =	vld [tilespmem:s18+$0x5000]  }
0x4d: {  	v3 =	vld [tilespmem:s18+$0x4F80];
	_ =	sdelay $0x1  }
0x4e: {  	v4 =	vld [tilespmem:s18+$0x5080];
	_ =	sdelay $0x1  }
0x4f: {  	v5 =	vld [tilespmem:s18+$0x5100]  }
0x50: {  	v2 =	vadd.f32 v2, v3  }
0x51: {  	v3 =	vld [tilespmem:s18+$0x5180]  }
0x52: {  	v2 =	vadd.f32 v4, v2  }
0x53: {  	v4 =	vld [tilespmem:s18+$0x5200]  }
0x54: {  	v2 =	vadd.f32 v5, v2  }
0x55: {  	v5 =	vld [tilespmem:s18+$0x5280]  }
0x56: {  	v2 =	vadd.f32 v3, v2  }
0x57: {  	v3 =	vld [tilespmem:s18+$0x5300]  }
0x58: {  	v2 =	vadd.f32 v4, v2  }
0x59: {  	v4 =	vld [tilespmem:s18+$0x6380]  }
0x5a: {  	v2 =	vadd.f32 v5, v2  }
0x5b: {  	v5 =	vld [tilespmem:s18+$0x6400]  }
0x5c: {  	v2 =	vadd.f32 v3, v2  }
0x5d: {  	v3 =	vld [tilespmem:s18+$0x6480]  }
0x5e: {  	v2 =	vadd.f32 v4, v2  }
0x5f: {  	v4 =	vld [tilespmem:s18+$0x6500]  }
0x60: {  	v2 =	vadd.f32 v5, v2  }
0x61: {  	v5 =	vld [tilespmem:s18+$0x6580]  }
0x62: {  	v2 =	vadd.f32 v3, v2  }
0x63: {  	v3 =	vld [tilespmem:s18+$0x6600]  }
0x64: {  	v2 =	vadd.f32 v4, v2  }
0x65: {  	v4 =	vld [tilespmem:s18+$0x6680]  }
0x66: {  	v2 =	vadd.f32 v5, v2  }
0x67: {  	v5 =	vld [tilespmem:s18+$0x6700]  }
0x68: {  	v2 =	vadd.f32 v3, v2;
	_ =	sdelay $0x1  }
.Ltmp2:
0x69: {  	v2 =	vadd.f32 v4, v2;
	(pc) =	sbr.rel @p0 .LBB2_6-.Ltmp2, $4  }
0x6a: {  	_ = 	snop  }
0x6b: {  	s19 =	sadd.s32 $0x80, s19;
	v2 =	vadd.f32 v5, v2  }
0x6c: {  	s17 =	sadd.s32 $0x10, s17;
	s21 =	sand.u32 $0x1C00, s19;
	s18 =	sand.u32 $0x70, s20  }
0x6d: {  	s20 =	sadd.s32 $0x10, s20;
	s18 =	sor.u32 s18, s21;
	[tilespmem:s17+$0x0] =	vst v2  }
0x6e: {  	v2 =	vld [tilespmem:s18+$0x5000]  }
0x6f: {  	v3 =	vld [tilespmem:s18+$0x4F80];
	_ =	sdelay $0x1  }
0x70: {  	v4 =	vld [tilespmem:s18+$0x5080];
	_ =	sdelay $0x1  }
0x71: {  	v5 =	vld [tilespmem:s18+$0x5100]  }
0x72: {  	v2 =	vadd.f32 v2, v3  }
0x73: {  	v3 =	vld [tilespmem:s18+$0x5180]  }
0x74: {  	v2 =	vadd.f32 v4, v2  }
0x75: {  	v56 =	vld [tilespmem:s18+$0x5200]  }
0x76: {  	v2 =	vadd.f32 v5, v2  }
0x77: {  	v57 =	vld [tilespmem:s18+$0x5280]  }
0x78: {  	v2 =	vadd.f32 v3, v2  }
0x79: {  	v3 =	vld [tilespmem:s18+$0x5300]  }
0x7a: {  	v2 =	vadd.f32 v56, v2  }
0x7b: {  	v58 =	vld [tilespmem:s18+$0x6380]  }
0x7c: {  	v2 =	vadd.f32 v57, v2  }
0x7d: {  	v59 =	vld [tilespmem:s18+$0x6400]  }
0x7e: {  	v2 =	vadd.f32 v3, v2  }
0x7f: {  	v3 =	vld [tilespmem:s18+$0x6480]  }
0x80: {  	v2 =	vadd.f32 v58, v2  }
0x81: {  	v60 =	vld [tilespmem:s18+$0x6500]  }
0x82: {  	v2 =	vadd.f32 v59, v2  }
0x83: {  	v61 =	vld [tilespmem:s18+$0x6580]  }
0x84: {  	v2 =	vadd.f32 v3, v2  }
0x85: {  	v3 =	vld [tilespmem:s18+$0x6600]  }
0x86: {  	v2 =	vadd.f32 v60, v2  }
0x87: {  	v62 =	vld [tilespmem:s18+$0x6680]  }
0x88: {  	v2 =	vadd.f32 v61, v2  }
0x89: {  	v63 =	vld [tilespmem:s18+$0x6700]  }
0x8a: {  	v2 =	vadd.f32 v3, v2;
	_ =	sdelay $0x1  }
0x8b: {  	v2 =	vadd.f32 v62, v2;
	_ =	sdelay $0x1  }
0x8c: {  	s16 =	sadd.s32 $0x1, s16;
	v2 =	vadd.f32 v63, v2  }
0x8d: {  	s17 =	sadd.s32 $0x10, s17;
	p0 =	sne.s32 s16, s7  }
.Ltmp3:
0x8e: {  	[tilespmem:s17+$0x0] =	vst v2;
	(pc) =	sbr.rel @p0 .LBB2_1-.Ltmp3, $4  }
0x8f: {  	[hbm4b:s6+s8] =	stream.strided.scatter [tilespmem:s15], [sflag:$0x1], $0x280, s9, s8, $0x38;
	[tilespmem:$0xA200] =	vst v63  }
0x90: {  	_ =	swait.ge [sflag:s10], $0x280  }
0x91: {  	[sflag:s10] =	ssyncset.done $0x0  }
0x92: {  	[sflag:s10] =	ssyncadd.s32 $0xFFFFFD80  }
0x93: {  	_ =	sfence.sel $0x180000  }
0x94: {  	[bflag:$0x0] =	sbarrier.arrive $0xFFFF  }
0x95: {  	p0 =	sne.s32 s0, $0x0;
	_ =	strace $0x90000047  }
0x96: {  	s0 =	sadd.s32 @!p0 $0x100000, s1;
	[bflag:$0x2] =	sbarrier.arrive $0xFFFF  }
0x97: {  	[sflag:s0] =	ssyncadd.tile.s32 @!p0 $0x1;
	_ =	shalt  }
.Lfunc_end2:
_tile_overlayer_lowered:
.L_overlay_start_2:
0x98: {  	(tag) =	ssettag $0x2  }
0x99: {  	s0 =	rddreg [dreg:$0x0];
	s2 =	stileid.u32  }
0x9a: {  	s1 =	rddreg [dreg:$0x1];
	p0 =	sne.s32 s2, $0x0  }
0x9b: {  	s3 =	rddreg [dreg:$0x2];
	[bflag:$0x3] =	sbarrier.arrive $0xFFFF;
	s2 =	simm.s32 @!p0 $0x1C01  }
0x9c: {  	[timem:s3], [sflag:s2] =	dma.local @!p0 [hbm:s0], s1  }
0x9d: {  	s0 =	simm.s32 @!p0 $0x1  }
0x9e: {  	_ =	swait.ge @!p0 [sflag:s0], s1  }
0x9f: {  	s1 =	ssub.s32 @!p0 $0x0, s1;
	[sflag:s0] =	ssyncset.done @!p0 $0x0  }
0xa0: {  	[sflag:s0] =	ssyncadd.s32 @!p0 s1  }
0xa1: {  	[bflag:$0x3] =	sbarrier.arrive $0xFFFF  }
0xa2: {  	_ =	shalt  }

</sc_bundles>
